<compile_context>
chip_gen: v7x
topology: tpu7x:2x2x1
jax: 0.10.2.dev20260603
libtpu: 0.0.44.dev20260713+nightly
codegen_flags: <defaults>
</compile_context>

<pallas_src>
import functools

import jax
import jax.numpy as jnp
from jax import lax
from jax.experimental import pallas as pl
from jax.experimental.pallas import tpu as pltpu
from jax.experimental.pallas import tpu_sc as plsc

_NC = 2
_NS = 16
_NW = _NC * _NS
_L = 16

_CHUNK = 8


def _make_sc_kernel(rows, cols):
    out_rows = rows // 2
    rows_per_w = out_rows // _NW
    n_chunks = rows_per_w // _CHUNK
    n_vecs = rows // _L
    idx_pad = rows_per_w + _L

    mesh = plsc.VectorSubcoreMesh(core_axis_name="c", subcore_axis_name="s")

    @functools.partial(
        pl.kernel,
        out_type=jax.ShapeDtypeStruct((out_rows, cols), jnp.float32),
        mesh=mesh,
        compiler_params=pltpu.CompilerParams(needs_layout_passes=False),
        scratch_types=[
            pltpu.VMEM((rows,), jnp.int32),
            pltpu.VMEM((idx_pad,), jnp.int32),
            pltpu.VMEM((_CHUNK, cols), jnp.float32),
            pltpu.VMEM((_CHUNK, cols), jnp.float32),
            pltpu.VMEM((_CHUNK, cols), jnp.float32),
            pltpu.SemaphoreType.DMA,
            pltpu.SemaphoreType.DMA,
            pltpu.SemaphoreType.DMA,
            pltpu.SemaphoreType.DMA,
            pltpu.SemaphoreType.DMA,
            pltpu.SemaphoreType.DMA,
        ],
    )
    def k(data_hbm, mask_hbm, out_hbm, mask_v, idx_v, buf_a, buf_b, buf_c,
          gsem_a, gsem_b, gsem_c, osem_a, osem_b, osem_c):
        wid = lax.axis_index("c") * _NS + lax.axis_index("s")
        lo = wid * rows_per_w
        hi = lo + rows_per_w

        pltpu.sync_copy(mask_hbm, mask_v)

        zeros = jnp.zeros((_L,), jnp.int32)
        for z in range(idx_pad // _L):
            idx_v[pl.ds(z * _L, _L)] = zeros

        iota = lax.iota(jnp.int32, _L)

        vecs_per_blk = 16
        n_blks = n_vecs // vecs_per_blk

        def blk_body(b, carry):
            run, j0, p0 = carry
            acc = jnp.zeros((_L,), jnp.int32)
            for t in range(vecs_per_blk):
                acc = acc + mask_v[pl.ds((b * vecs_per_blk + t) * _L, _L)]
            cnt = plsc.cumsum(acc)[_L - 1]
            found = (run <= lo) & (run + cnt > lo)
            j0 = jnp.where(found, b * vecs_per_blk, j0)
            p0 = jnp.where(found, run, p0)
            return run + cnt, j0, p0

        _, j0, p0 = lax.fori_loop(
            0, n_blks, blk_body,
            (jnp.int32(0), jnp.int32(0), jnp.int32(0)))

        def scan_body(t, run):
            j = jnp.minimum(j0 + t, n_vecs - 1)
            v = mask_v[pl.ds(j * _L, _L)]
            m = v > 0
            csum = plsc.cumsum(v)
            ranks = run + csum
            sel = m & (ranks > lo) & (ranks <= hi)
            off = jnp.clip(run, lo, hi) - lo
            vals = j * _L + iota
            plsc.store_compressed(idx_v.at[pl.ds(off, _L)], vals, mask=sel)
            pc = plsc.all_reduce_population_count(m)
            return run + pc[0]

        lax.fori_loop(0, 2 * vecs_per_blk, scan_body, p0)

        nbuf = 3
        bufs = (buf_a, buf_b, buf_c)
        gsems = (gsem_a, gsem_b, gsem_c)
        osems = (osem_a, osem_b, osem_c)

        def gather_start(g):
            pltpu.make_async_copy(
                data_hbm.at[idx_v.at[pl.ds(g * _CHUNK, _CHUNK)]],
                bufs[g % nbuf], gsems[g % nbuf]).start()

        def gather_wait(g):
            pltpu.make_async_copy(
                data_hbm.at[idx_v.at[pl.ds(g * _CHUNK, _CHUNK)]],
                bufs[g % nbuf], gsems[g % nbuf]).wait()

        def put_start(g):
            pltpu.make_async_copy(
                bufs[g % nbuf],
                out_hbm.at[pl.ds(lo + g * _CHUNK, _CHUNK)],
                osems[g % nbuf]).start()

        def put_wait(g):
            pltpu.make_async_copy(
                bufs[g % nbuf],
                out_hbm.at[pl.ds(lo + g * _CHUNK, _CHUNK)],
                osems[g % nbuf]).wait()

        for g in range(nbuf):
            gather_start(g)
        for g in range(n_chunks):
            gather_wait(g)
            put_start(g)
            nxt = g + nbuf
            if nxt < n_chunks:
                put_wait(g)
                gather_start(nxt)
        for g in range(n_chunks - nbuf, n_chunks):
            put_wait(g)

    return k


def kernel(data, mask):
    rows, cols = data.shape
    k = _make_sc_kernel(rows, cols)
    return k(data, mask.astype(jnp.int32))

# --- scband reference (transcript-rebuilt; emitter-appended) ---
"""Pipeline reference for scband-masked-selection-10694468567515 (READ-ONLY COPY).

The authoritative reference and input builder live on the scoring server;
editing this copy changes nothing except your own understanding.
"""

import jax, jax.numpy as jnp
import numpy as np


def setup_inputs(seed: int = 0) -> dict:
    key = jax.random.key(seed)
    data = jax.random.normal(key, (8192, 4096), dtype=jnp.float32)
    # Deterministic mask (exactly half True) so output shape is reproducible.
    mask = (jnp.arange(8192) % 2 == 0)
    return {"data": data, "mask": mask}


def reference(data, mask):
    # tf.boolean_mask(data, mask, axis=-2): mask rank-1 selects rows along the
    # second-to-last axis of data (axis 0 for rank-2 data).
    idx = jnp.nonzero(mask, size=mask.shape[0] // 2)[0]
    masked_data = jnp.take(data, idx, axis=0)
    return masked_data

if __name__ == "__main__":
    import jax
    _d = setup_inputs()
    print(jax.jit(kernel)(*tuple(_d.values())))

</pallas_src>

<mosaic_0001>
#map = affine_map<(d0, d1) -> (0, 0)>
#map1 = affine_map<(d0, d1) -> (0)>
module attributes {stable_mosaic.version = 14 : i64} {
  func.func @k(%arg0: i32, %arg1: i32, %arg2: memref<8192x4096xf32, #tpu.memory_space<hbm>>, %arg3: memref<8192xi32, #tpu.memory_space<hbm>>, %arg4: memref<4096x4096xf32, #tpu.memory_space<hbm>>, %arg5: memref<8192xi32, #tpu.memory_space<vmem>>, %arg6: memref<144xi32, #tpu.memory_space<vmem>>, %arg7: memref<8x4096xf32, #tpu.memory_space<vmem>>, %arg8: memref<8x4096xf32, #tpu.memory_space<vmem>>, %arg9: memref<8x4096xf32, #tpu.memory_space<vmem>>, %arg10: memref<!tpu.dma_semaphore, #tpu.memory_space<semaphore_mem>>, %arg11: memref<!tpu.dma_semaphore, #tpu.memory_space<semaphore_mem>>, %arg12: memref<!tpu.dma_semaphore, #tpu.memory_space<semaphore_mem>>, %arg13: memref<!tpu.dma_semaphore, #tpu.memory_space<semaphore_mem>>, %arg14: memref<!tpu.dma_semaphore, #tpu.memory_space<semaphore_mem>>, %arg15: memref<!tpu.dma_semaphore, #tpu.memory_space<semaphore_mem>>) attributes {dimension_semantics = [#tpu.dimension_semantics<core_parallel>, #tpu.dimension_semantics<subcore_parallel>], iteration_bounds = array<i64: 2, 16>, scalar_prefetch = 0 : i64, scratch_operands = 11 : i64, tpu.core_type = #tpu.core_type<sc_vector_subcore>, window_params = [{transform_indices = #map}, {transform_indices = #map1}, {transform_indices = #map}]} {
    %mul3A = arith.constant 16 : i32
    %mul3A_0 = arith.muli %arg0, %mul3A : i32
    %add3A = arith.addi %mul3A_0, %arg1 : i32
    %mul3A_1 = arith.constant 128 : i32
    %mul3A_2 = arith.muli %add3A, %mul3A_1 : i32
    %add3A_3 = arith.constant 128 : i32
    %add3A_4 = arith.addi %mul3A_2, %add3A_3 : i32
    "tpu.region"() ({
      %run_scoped3A = tpu.sem_alloc : memref<!tpu.dma_semaphore, #tpu.memory_space<semaphore_mem>>
      tpu.enqueue_dma source(%arg3 : memref<8192xi32, #tpu.memory_space<hbm>>) target(%arg5 : memref<8192xi32, #tpu.memory_space<vmem>>) target_semaphore(%run_scoped3A : memref<!tpu.dma_semaphore, #tpu.memory_space<semaphore_mem>>)
      tpu.wait_dma2 semaphore(%run_scoped3A : memref<!tpu.dma_semaphore, #tpu.memory_space<semaphore_mem>>) src(%arg3 : memref<8192xi32, #tpu.memory_space<hbm>>) dst(%arg5 : memref<8192xi32, #tpu.memory_space<vmem>>)
      tpu.yield
    }) : () -> ()
    %broadcast_in_dim3A = arith.constant 0 : i32
    %broadcast_in_dim3A_5 = vector.broadcast %broadcast_in_dim3A : i32 to vector<16xi32>
    %swap3A = arith.constant 0 : index
    %swap3A_6 = tpu.vector_load %arg6[%swap3A] {strides = array<i32>} : memref<144xi32, #tpu.memory_space<vmem>>, vector<16xi32>,
    tpu.vector_store %arg6[%swap3A], %broadcast_in_dim3A_5 {strides = array<i32>} : memref<144xi32, #tpu.memory_space<vmem>>, vector<16xi32>,
    %swap3A_7 = arith.constant 16 : index
    %swap3A_8 = tpu.vector_load %arg6[%swap3A_7] {strides = array<i32>} : memref<144xi32, #tpu.memory_space<vmem>>, vector<16xi32>,
    tpu.vector_store %arg6[%swap3A_7], %broadcast_in_dim3A_5 {strides = array<i32>} : memref<144xi32, #tpu.memory_space<vmem>>, vector<16xi32>,
    %swap3A_9 = arith.constant 32 : index
    %swap3A_10 = tpu.vector_load %arg6[%swap3A_9] {strides = array<i32>} : memref<144xi32, #tpu.memory_space<vmem>>, vector<16xi32>,
    tpu.vector_store %arg6[%swap3A_9], %broadcast_in_dim3A_5 {strides = array<i32>} : memref<144xi32, #tpu.memory_space<vmem>>, vector<16xi32>,
    %swap3A_11 = arith.constant 48 : index
    %swap3A_12 = tpu.vector_load %arg6[%swap3A_11] {strides = array<i32>} : memref<144xi32, #tpu.memory_space<vmem>>, vector<16xi32>,
    tpu.vector_store %arg6[%swap3A_11], %broadcast_in_dim3A_5 {strides = array<i32>} : memref<144xi32, #tpu.memory_space<vmem>>, vector<16xi32>,
    %swap3A_13 = arith.constant 64 : index
    %swap3A_14 = tpu.vector_load %arg6[%swap3A_13] {strides = array<i32>} : memref<144xi32, #tpu.memory_space<vmem>>, vector<16xi32>,
    tpu.vector_store %arg6[%swap3A_13], %broadcast_in_dim3A_5 {strides = array<i32>} : memref<144xi32, #tpu.memory_space<vmem>>, vector<16xi32>,
    %swap3A_15 = arith.constant 80 : index
    %swap3A_16 = tpu.vector_load %arg6[%swap3A_15] {strides = array<i32>} : memref<144xi32, #tpu.memory_space<vmem>>, vector<16xi32>,
    tpu.vector_store %arg6[%swap3A_15], %broadcast_in_dim3A_5 {strides = array<i32>} : memref<144xi32, #tpu.memory_space<vmem>>, vector<16xi32>,
    %swap3A_17 = arith.constant 96 : index
    %swap3A_18 = tpu.vector_load %arg6[%swap3A_17] {strides = array<i32>} : memref<144xi32, #tpu.memory_space<vmem>>, vector<16xi32>,
    tpu.vector_store %arg6[%swap3A_17], %broadcast_in_dim3A_5 {strides = array<i32>} : memref<144xi32, #tpu.memory_space<vmem>>, vector<16xi32>,
    %swap3A_19 = arith.constant 112 : index
    %swap3A_20 = tpu.vector_load %arg6[%swap3A_19] {strides = array<i32>} : memref<144xi32, #tpu.memory_space<vmem>>, vector<16xi32>,
    tpu.vector_store %arg6[%swap3A_19], %broadcast_in_dim3A_5 {strides = array<i32>} : memref<144xi32, #tpu.memory_space<vmem>>, vector<16xi32>,
    %swap3A_21 = arith.constant 128 : index
    %swap3A_22 = tpu.vector_load %arg6[%swap3A_21] {strides = array<i32>} : memref<144xi32, #tpu.memory_space<vmem>>, vector<16xi32>,
    tpu.vector_store %arg6[%swap3A_21], %broadcast_in_dim3A_5 {strides = array<i32>} : memref<144xi32, #tpu.memory_space<vmem>>, vector<16xi32>,
    %iota3A = tpu.iota {dimensions = array<i32: 0>} : vector<16xi32>
    %scan3A = arith.constant 0 : i32
    %scan3A_23 = arith.constant 0 : i32
    %scan3A_24 = arith.constant 0 : i32
    %scan3A_25 = arith.constant 0 : i32
    %scan3A_26 = arith.constant 32 : i32
    %scan3A_27 = arith.addi %scan3A_25, %scan3A_26 : i32
    %scan3A_28 = arith.constant 1 : i32
    %scan3A_29:3 = scf.for %scan3A_387 = %scan3A_25 to %scan3A_27 step %scan3A_28 iter_args(%scan3A_388 = %scan3A, %scan3A_389 = %scan3A_23, %scan3A_390 = %scan3A_24) -> (i32, i32, i32)  : i32 {
      %broadcast_in_dim3A_391 = arith.constant 0 : i32
      %broadcast_in_dim3A_392 = vector.broadcast %broadcast_in_dim3A_391 : i32 to vector<16xi32>
      %mul3A_393 = arith.constant 16 : i32
      %mul3A_394 = arith.muli %scan3A_387, %mul3A_393 : i32
      %add3A_395 = arith.constant 0 : i32
      %add3A_396 = arith.addi %mul3A_394, %add3A_395 : i32
      %mul3A_397 = arith.constant 16 : i32
      %mul3A_398 = arith.muli %add3A_396, %mul3A_397 : i32
      %get3A = arith.index_cast %mul3A_398 : i32 to index
      %get3A_399 = tpu.vector_load %arg5[%get3A] {strides = array<i32>} : memref<8192xi32, #tpu.memory_space<vmem>>, vector<16xi32>,
      %add3A_400 = arith.addi %broadcast_in_dim3A_392, %get3A_399 : vector<16xi32>
      %mul3A_401 = arith.constant 16 : i32
      %mul3A_402 = arith.muli %scan3A_387, %mul3A_401 : i32
      %add3A_403 = arith.constant 1 : i32
      %add3A_404 = arith.addi %mul3A_402, %add3A_403 : i32
      %mul3A_405 = arith.constant 16 : i32
      %mul3A_406 = arith.muli %add3A_404, %mul3A_405 : i32
      %get3A_407 = arith.index_cast %mul3A_406 : i32 to index
      %get3A_408 = tpu.vector_load %arg5[%get3A_407] {strides = array<i32>} : memref<8192xi32, #tpu.memory_space<vmem>>, vector<16xi32>,
      %add3A_409 = arith.addi %add3A_400, %get3A_408 : vector<16xi32>
      %mul3A_410 = arith.constant 16 : i32
      %mul3A_411 = arith.muli %scan3A_387, %mul3A_410 : i32
      %add3A_412 = arith.constant 2 : i32
      %add3A_413 = arith.addi %mul3A_411, %add3A_412 : i32
      %mul3A_414 = arith.constant 16 : i32
      %mul3A_415 = arith.muli %add3A_413, %mul3A_414 : i32
      %get3A_416 = arith.index_cast %mul3A_415 : i32 to index
      %get3A_417 = tpu.vector_load %arg5[%get3A_416] {strides = array<i32>} : memref<8192xi32, #tpu.memory_space<vmem>>, vector<16xi32>,
      %add3A_418 = arith.addi %add3A_409, %get3A_417 : vector<16xi32>
      %mul3A_419 = arith.constant 16 : i32
      %mul3A_420 = arith.muli %scan3A_387, %mul3A_419 : i32
      %add3A_421 = arith.constant 3 : i32
      %add3A_422 = arith.addi %mul3A_420, %add3A_421 : i32
      %mul3A_423 = arith.constant 16 : i32
      %mul3A_424 = arith.muli %add3A_422, %mul3A_423 : i32
      %get3A_425 = arith.index_cast %mul3A_424 : i32 to index
      %get3A_426 = tpu.vector_load %arg5[%get3A_425] {strides = array<i32>} : memref<8192xi32, #tpu.memory_space<vmem>>, vector<16xi32>,
      %add3A_427 = arith.addi %add3A_418, %get3A_426 : vector<16xi32>
      %mul3A_428 = arith.constant 16 : i32
      %mul3A_429 = arith.muli %scan3A_387, %mul3A_428 : i32
      %add3A_430 = arith.constant 4 : i32
      %add3A_431 = arith.addi %mul3A_429, %add3A_430 : i32
      %mul3A_432 = arith.constant 16 : i32
      %mul3A_433 = arith.muli %add3A_431, %mul3A_432 : i32
      %get3A_434 = arith.index_cast %mul3A_433 : i32 to index
      %get3A_435 = tpu.vector_load %arg5[%get3A_434] {strides = array<i32>} : memref<8192xi32, #tpu.memory_space<vmem>>, vector<16xi32>,
      %add3A_436 = arith.addi %add3A_427, %get3A_435 : vector<16xi32>
      %mul3A_437 = arith.constant 16 : i32
      %mul3A_438 = arith.muli %scan3A_387, %mul3A_437 : i32
      %add3A_439 = arith.constant 5 : i32
      %add3A_440 = arith.addi %mul3A_438, %add3A_439 : i32
      %mul3A_441 = arith.constant 16 : i32
      %mul3A_442 = arith.muli %add3A_440, %mul3A_441 : i32
      %get3A_443 = arith.index_cast %mul3A_442 : i32 to index
      %get3A_444 = tpu.vector_load %arg5[%get3A_443] {strides = array<i32>} : memref<8192xi32, #tpu.memory_space<vmem>>, vector<16xi32>,
      %add3A_445 = arith.addi %add3A_436, %get3A_444 : vector<16xi32>
      %mul3A_446 = arith.constant 16 : i32
      %mul3A_447 = arith.muli %scan3A_387, %mul3A_446 : i32
      %add3A_448 = arith.constant 6 : i32
      %add3A_449 = arith.addi %mul3A_447, %add3A_448 : i32
      %mul3A_450 = arith.constant 16 : i32
      %mul3A_451 = arith.muli %add3A_449, %mul3A_450 : i32
      %get3A_452 = arith.index_cast %mul3A_451 : i32 to index
      %get3A_453 = tpu.vector_load %arg5[%get3A_452] {strides = array<i32>} : memref<8192xi32, #tpu.memory_space<vmem>>, vector<16xi32>,
      %add3A_454 = arith.addi %add3A_445, %get3A_453 : vector<16xi32>
      %mul3A_455 = arith.constant 16 : i32
      %mul3A_456 = arith.muli %scan3A_387, %mul3A_455 : i32
      %add3A_457 = arith.constant 7 : i32
      %add3A_458 = arith.addi %mul3A_456, %add3A_457 : i32
      %mul3A_459 = arith.constant 16 : i32
      %mul3A_460 = arith.muli %add3A_458, %mul3A_459 : i32
      %get3A_461 = arith.index_cast %mul3A_460 : i32 to index
      %get3A_462 = tpu.vector_load %arg5[%get3A_461] {strides = array<i32>} : memref<8192xi32, #tpu.memory_space<vmem>>, vector<16xi32>,
      %add3A_463 = arith.addi %add3A_454, %get3A_462 : vector<16xi32>
      %mul3A_464 = arith.constant 16 : i32
      %mul3A_465 = arith.muli %scan3A_387, %mul3A_464 : i32
      %add3A_466 = arith.constant 8 : i32
      %add3A_467 = arith.addi %mul3A_465, %add3A_466 : i32
      %mul3A_468 = arith.constant 16 : i32
      %mul3A_469 = arith.muli %add3A_467, %mul3A_468 : i32
      %get3A_470 = arith.index_cast %mul3A_469 : i32 to index
      %get3A_471 = tpu.vector_load %arg5[%get3A_470] {strides = array<i32>} : memref<8192xi32, #tpu.memory_space<vmem>>, vector<16xi32>,
      %add3A_472 = arith.addi %add3A_463, %get3A_471 : vector<16xi32>
      %mul3A_473 = arith.constant 16 : i32
      %mul3A_474 = arith.muli %scan3A_387, %mul3A_473 : i32
      %add3A_475 = arith.constant 9 : i32
      %add3A_476 = arith.addi %mul3A_474, %add3A_475 : i32
      %mul3A_477 = arith.constant 16 : i32
      %mul3A_478 = arith.muli %add3A_476, %mul3A_477 : i32
      %get3A_479 = arith.index_cast %mul3A_478 : i32 to index
      %get3A_480 = tpu.vector_load %arg5[%get3A_479] {strides = array<i32>} : memref<8192xi32, #tpu.memory_space<vmem>>, vector<16xi32>,
      %add3A_481 = arith.addi %add3A_472, %get3A_480 : vector<16xi32>
      %mul3A_482 = arith.constant 16 : i32
      %mul3A_483 = arith.muli %scan3A_387, %mul3A_482 : i32
      %add3A_484 = arith.constant 10 : i32
      %add3A_485 = arith.addi %mul3A_483, %add3A_484 : i32
      %mul3A_486 = arith.constant 16 : i32
      %mul3A_487 = arith.muli %add3A_485, %mul3A_486 : i32
      %get3A_488 = arith.index_cast %mul3A_487 : i32 to index
      %get3A_489 = tpu.vector_load %arg5[%get3A_488] {strides = array<i32>} : memref<8192xi32, #tpu.memory_space<vmem>>, vector<16xi32>,
      %add3A_490 = arith.addi %add3A_481, %get3A_489 : vector<16xi32>
      %mul3A_491 = arith.constant 16 : i32
      %mul3A_492 = arith.muli %scan3A_387, %mul3A_491 : i32
      %add3A_493 = arith.constant 11 : i32
      %add3A_494 = arith.addi %mul3A_492, %add3A_493 : i32
      %mul3A_495 = arith.constant 16 : i32
      %mul3A_496 = arith.muli %add3A_494, %mul3A_495 : i32
      %get3A_497 = arith.index_cast %mul3A_496 : i32 to index
      %get3A_498 = tpu.vector_load %arg5[%get3A_497] {strides = array<i32>} : memref<8192xi32, #tpu.memory_space<vmem>>, vector<16xi32>,
      %add3A_499 = arith.addi %add3A_490, %get3A_498 : vector<16xi32>
      %mul3A_500 = arith.constant 16 : i32
      %mul3A_501 = arith.muli %scan3A_387, %mul3A_500 : i32
      %add3A_502 = arith.constant 12 : i32
      %add3A_503 = arith.addi %mul3A_501, %add3A_502 : i32
      %mul3A_504 = arith.constant 16 : i32
      %mul3A_505 = arith.muli %add3A_503, %mul3A_504 : i32
      %get3A_506 = arith.index_cast %mul3A_505 : i32 to index
      %get3A_507 = tpu.vector_load %arg5[%get3A_506] {strides = array<i32>} : memref<8192xi32, #tpu.memory_space<vmem>>, vector<16xi32>,
      %add3A_508 = arith.addi %add3A_499, %get3A_507 : vector<16xi32>
      %mul3A_509 = arith.constant 16 : i32
      %mul3A_510 = arith.muli %scan3A_387, %mul3A_509 : i32
      %add3A_511 = arith.constant 13 : i32
      %add3A_512 = arith.addi %mul3A_510, %add3A_511 : i32
      %mul3A_513 = arith.constant 16 : i32
      %mul3A_514 = arith.muli %add3A_512, %mul3A_513 : i32
      %get3A_515 = arith.index_cast %mul3A_514 : i32 to index
      %get3A_516 = tpu.vector_load %arg5[%get3A_515] {strides = array<i32>} : memref<8192xi32, #tpu.memory_space<vmem>>, vector<16xi32>,
      %add3A_517 = arith.addi %add3A_508, %get3A_516 : vector<16xi32>
      %mul3A_518 = arith.constant 16 : i32
      %mul3A_519 = arith.muli %scan3A_387, %mul3A_518 : i32
      %add3A_520 = arith.constant 14 : i32
      %add3A_521 = arith.addi %mul3A_519, %add3A_520 : i32
      %mul3A_522 = arith.constant 16 : i32
      %mul3A_523 = arith.muli %add3A_521, %mul3A_522 : i32
      %get3A_524 = arith.index_cast %mul3A_523 : i32 to index
      %get3A_525 = tpu.vector_load %arg5[%get3A_524] {strides = array<i32>} : memref<8192xi32, #tpu.memory_space<vmem>>, vector<16xi32>,
      %add3A_526 = arith.addi %add3A_517, %get3A_525 : vector<16xi32>
      %mul3A_527 = arith.constant 16 : i32
      %mul3A_528 = arith.muli %scan3A_387, %mul3A_527 : i32
      %add3A_529 = arith.constant 15 : i32
      %add3A_530 = arith.addi %mul3A_528, %add3A_529 : i32
      %mul3A_531 = arith.constant 16 : i32
      %mul3A_532 = arith.muli %add3A_530, %mul3A_531 : i32
      %get3A_533 = arith.index_cast %mul3A_532 : i32 to index
      %get3A_534 = tpu.vector_load %arg5[%get3A_533] {strides = array<i32>} : memref<8192xi32, #tpu.memory_space<vmem>>, vector<16xi32>,
      %add3A_535 = arith.addi %add3A_526, %get3A_534 : vector<16xi32>
      %broadcast_in_dim3A_536 = arith.constant true
      %broadcast_in_dim3A_537 = vector.broadcast %broadcast_in_dim3A_536 : i1 to vector<16xi1>
      %masked_cumsum3A = tpu.scan <sum>, %add3A_535 masked %broadcast_in_dim3A_537 : vector<16xi32>, vector<16xi1> -> vector<16xi32>
      %slice3A = vector.extract_strided_slice %masked_cumsum3A {offsets = [15], sizes = [1], strides = [1]} : vector<16xi32> to vector<1xi32>
      %squeeze3A = vector.extract %slice3A[0] : i32 from vector<1xi32>
      %le3A = arith.cmpi sle, %scan3A_388, %mul3A_2 : i32
      %add3A_538 = arith.addi %scan3A_388, %squeeze3A : i32
      %gt3A = arith.cmpi sgt, %add3A_538, %mul3A_2 : i32
      %and3A = arith.andi %le3A, %gt3A : i1
      %mul3A_539 = arith.constant 16 : i32
      %mul3A_540 = arith.muli %scan3A_387, %mul3A_539 : i32
      %select_n3A = arith.select %and3A, %mul3A_540, %scan3A_389 : i32
      %select_n3A_541 = arith.select %and3A, %scan3A_388, %scan3A_390 : i32
      %add3A_542 = arith.addi %scan3A_388, %squeeze3A : i32
      scf.yield %add3A_542, %select_n3A, %select_n3A_541 : i32, i32, i32
    }
    %scan3A_30 = arith.constant 32 : i32
    %scan3A_31 = arith.constant 0 : i32
    %scan3A_32 = arith.constant 32 : i32
    %scan3A_33 = arith.addi %scan3A_31, %scan3A_32 : i32
    %scan3A_34 = arith.constant 1 : i32
    %scan3A_35 = scf.for %scan3A_387 = %scan3A_31 to %scan3A_33 step %scan3A_34 iter_args(%scan3A_388 = %scan3A_29#2) -> (i32)  : i32 {
      %add3A_389 = arith.addi %scan3A_29#1, %scan3A_387 : i32
      %min3A = arith.constant 511 : i32
      %min3A_390 = arith.minsi %add3A_389, %min3A : i32
      %mul3A_391 = arith.constant 16 : i32
      %mul3A_392 = arith.muli %min3A_390, %mul3A_391 : i32
      %get3A = arith.index_cast %mul3A_392 : i32 to index
      %get3A_393 = tpu.vector_load %arg5[%get3A] {strides = array<i32>} : memref<8192xi32, #tpu.memory_space<vmem>>, vector<16xi32>,
      %gt3A = arith.constant 0 : i32
      %gt3A_394 = vector.broadcast %gt3A : i32 to vector<16xi32>
      %gt3A_395 = arith.cmpi sgt, %get3A_393, %gt3A_394 : vector<16xi32>
      %broadcast_in_dim3A_396 = arith.constant true
      %broadcast_in_dim3A_397 = vector.broadcast %broadcast_in_dim3A_396 : i1 to vector<16xi1>
      %masked_cumsum3A = tpu.scan <sum>, %get3A_393 masked %broadcast_in_dim3A_397 : vector<16xi32>, vector<16xi1> -> vector<16xi32>
      %add3A_398 = vector.broadcast %scan3A_388 : i32 to vector<16xi32>
      %add3A_399 = arith.addi %add3A_398, %masked_cumsum3A : vector<16xi32>
      %gt3A_400 = vector.broadcast %mul3A_2 : i32 to vector<16xi32>
      %gt3A_401 = arith.cmpi sgt, %add3A_399, %gt3A_400 : vector<16xi32>
      %and3A = arith.andi %gt3A_395, %gt3A_401 : vector<16xi1>
      %le3A = vector.broadcast %add3A_4 : i32 to vector<16xi32>
      %le3A_402 = arith.cmpi sle, %add3A_399, %le3A : vector<16xi32>
      %and3A_403 = arith.andi %and3A, %le3A_402 : vector<16xi1>
      %max3A = arith.maxsi %mul3A_2, %scan3A_388 : i32
      %min3A_404 = arith.minsi %add3A_4, %max3A : i32
      %sub3A = arith.subi %min3A_404, %mul3A_2 : i32
      %mul3A_405 = arith.constant 16 : i32
      %mul3A_406 = arith.muli %min3A_390, %mul3A_405 : i32
      %add3A_407 = vector.broadcast %mul3A_406 : i32 to vector<16xi32>
      %add3A_408 = arith.addi %add3A_407, %iota3A : vector<16xi32>
      %swap3A_409 = arith.index_cast %sub3A : i32 to index
      %swap3A_410 = tpu.vector_load %arg6[%swap3A_409] masked %and3A_403 {strides = array<i32>} : memref<144xi32, #tpu.memory_space<vmem>>, vector<16xi32>, vector<16xi1>
      tpu.vector_store %arg6[%swap3A_409], %add3A_408 masked %and3A_403 {strides = array<i32>} : memref<144xi32, #tpu.memory_space<vmem>>, vector<16xi32>, vector<16xi1>
      %all_reduce_population_count3A = tpu.all_reduce %gt3A_395 {dim = 0 : i64, kind = #tpu.reduction_kind<sum>} : vector<16xi1> -> vector<16xi32>
      %slice3A = vector.extract_strided_slice %all_reduce_population_count3A {offsets = [0], sizes = [1], strides = [1]} : vector<16xi32> to vector<1xi32>
      %squeeze3A = vector.extract %slice3A[0] : i32 from vector<1xi32>
      %add3A_411 = arith.addi %scan3A_388, %squeeze3A : i32
      scf.yield %add3A_411 : i32
    }
    %scan3A_36 = arith.constant 32 : i32
    %dma_start3A = arith.constant 0 : i32
    %dma_start3A_37 = tpu.memref_slice %arg6[%dma_start3A] : memref<144xi32, #tpu.memory_space<vmem>> -> memref<8xi32, #tpu.memory_space<vmem>>
    %dma_start3A_38 = arith.constant 0 : i32
    %dma_start3A_39 = arith.constant 0 : i32
    %dma_start3A_40 = tpu.memref_slice %arg2[%dma_start3A_38, %dma_start3A_39] : memref<8192x4096xf32, #tpu.memory_space<hbm>> -> memref<8192x4096xf32, #tpu.memory_space<hbm>>
    tpu.enqueue_indirect_dma source(%dma_start3A_40 : memref<8192x4096xf32, #tpu.memory_space<hbm>>) target(%arg7 : memref<8x4096xf32, #tpu.memory_space<vmem>>) offsets(%dma_start3A_37 : memref<8xi32, #tpu.memory_space<vmem>>) semaphore(%arg10 : memref<!tpu.dma_semaphore, #tpu.memory_space<semaphore_mem>>)
    %dma_start3A_41 = arith.constant 8 : i32
    %dma_start3A_42 = tpu.memref_slice %arg6[%dma_start3A_41] : memref<144xi32, #tpu.memory_space<vmem>> -> memref<8xi32, #tpu.memory_space<vmem>>
    %dma_start3A_43 = arith.constant 0 : i32
    %dma_start3A_44 = arith.constant 0 : i32
    %dma_start3A_45 = tpu.memref_slice %arg2[%dma_start3A_43, %dma_start3A_44] : memref<8192x4096xf32, #tpu.memory_space<hbm>> -> memref<8192x4096xf32, #tpu.memory_space<hbm>>
    tpu.enqueue_indirect_dma source(%dma_start3A_45 : memref<8192x4096xf32, #tpu.memory_space<hbm>>) target(%arg8 : memref<8x4096xf32, #tpu.memory_space<vmem>>) offsets(%dma_start3A_42 : memref<8xi32, #tpu.memory_space<vmem>>) semaphore(%arg11 : memref<!tpu.dma_semaphore, #tpu.memory_space<semaphore_mem>>)
    %dma_start3A_46 = arith.constant 16 : i32
    %dma_start3A_47 = tpu.memref_slice %arg6[%dma_start3A_46] : memref<144xi32, #tpu.memory_space<vmem>> -> memref<8xi32, #tpu.memory_space<vmem>>
    %dma_start3A_48 = arith.constant 0 : i32
    %dma_start3A_49 = arith.constant 0 : i32
    %dma_start3A_50 = tpu.memref_slice %arg2[%dma_start3A_48, %dma_start3A_49] : memref<8192x4096xf32, #tpu.memory_space<hbm>> -> memref<8192x4096xf32, #tpu.memory_space<hbm>>
    tpu.enqueue_indirect_dma source(%dma_start3A_50 : memref<8192x4096xf32, #tpu.memory_space<hbm>>) target(%arg9 : memref<8x4096xf32, #tpu.memory_space<vmem>>) offsets(%dma_start3A_47 : memref<8xi32, #tpu.memory_space<vmem>>) semaphore(%arg12 : memref<!tpu.dma_semaphore, #tpu.memory_space<semaphore_mem>>)
    %dma_wait3A = arith.constant 0 : i32
    %dma_wait3A_51 = tpu.memref_slice %arg6[%dma_wait3A] : memref<144xi32, #tpu.memory_space<vmem>> -> memref<8xi32, #tpu.memory_space<vmem>>
    %dma_wait3A_52 = arith.constant 0 : i32
    %dma_wait3A_53 = arith.constant 0 : i32
    %dma_wait3A_54 = tpu.memref_slice %arg2[%dma_wait3A_52, %dma_wait3A_53] : memref<8192x4096xf32, #tpu.memory_space<hbm>> -> memref<8192x4096xf32, #tpu.memory_space<hbm>>
    tpu.wait_indirect_dma semaphore(%arg10 : memref<!tpu.dma_semaphore, #tpu.memory_space<semaphore_mem>>) src(%dma_wait3A_54 : memref<8192x4096xf32, #tpu.memory_space<hbm>>) dst(%arg7 : memref<8x4096xf32, #tpu.memory_space<vmem>>)
    %add3A_55 = arith.constant 0 : i32
    %add3A_56 = arith.addi %mul3A_2, %add3A_55 : i32
    %dma_start3A_57 = arith.constant 0 : i32
    %dma_start3A_58 = tpu.memref_slice %arg4[%add3A_56, %dma_start3A_57] : memref<4096x4096xf32, #tpu.memory_space<hbm>> -> memref<8x4096xf32, #tpu.memory_space<hbm>>
    %dma_start3A_59 = arith.constant 0 : i32
    %dma_start3A_60 = tpu.memref_slice %arg4[%add3A_56, %dma_start3A_59] : memref<4096x4096xf32, #tpu.memory_space<hbm>> -> memref<8x4096xf32, #tpu.memory_space<hbm>>
    tpu.enqueue_dma source(%arg7 : memref<8x4096xf32, #tpu.memory_space<vmem>>) target(%dma_start3A_60 : memref<8x4096xf32, #tpu.memory_space<hbm>>) target_semaphore(%arg13 : memref<!tpu.dma_semaphore, #tpu.memory_space<semaphore_mem>>)
    %add3A_61 = arith.constant 0 : i32
    %add3A_62 = arith.addi %mul3A_2, %add3A_61 : i32
    %dma_wait3A_63 = arith.constant 0 : i32
    %dma_wait3A_64 = tpu.memref_slice %arg4[%add3A_62, %dma_wait3A_63] : memref<4096x4096xf32, #tpu.memory_space<hbm>> -> memref<8x4096xf32, #tpu.memory_space<hbm>>
    %dma_wait3A_65 = arith.constant 0 : i32
    %dma_wait3A_66 = tpu.memref_slice %arg4[%add3A_62, %dma_wait3A_65] : memref<4096x4096xf32, #tpu.memory_space<hbm>> -> memref<8x4096xf32, #tpu.memory_space<hbm>>
    tpu.wait_dma2 semaphore(%arg13 : memref<!tpu.dma_semaphore, #tpu.memory_space<semaphore_mem>>) src(%arg7 : memref<8x4096xf32, #tpu.memory_space<vmem>>) dst(%dma_wait3A_66 : memref<8x4096xf32, #tpu.memory_space<hbm>>)
    %dma_start3A_67 = arith.constant 24 : i32
    %dma_start3A_68 = tpu.memref_slice %arg6[%dma_start3A_67] : memref<144xi32, #tpu.memory_space<vmem>> -> memref<8xi32, #tpu.memory_space<vmem>>
    %dma_start3A_69 = arith.constant 0 : i32
    %dma_start3A_70 = arith.constant 0 : i32
    %dma_start3A_71 = tpu.memref_slice %arg2[%dma_start3A_69, %dma_start3A_70] : memref<8192x4096xf32, #tpu.memory_space<hbm>> -> memref<8192x4096xf32, #tpu.memory_space<hbm>>
    tpu.enqueue_indirect_dma source(%dma_start3A_71 : memref<8192x4096xf32, #tpu.memory_space<hbm>>) target(%arg7 : memref<8x4096xf32, #tpu.memory_space<vmem>>) offsets(%dma_start3A_68 : memref<8xi32, #tpu.memory_space<vmem>>) semaphore(%arg10 : memref<!tpu.dma_semaphore, #tpu.memory_space<semaphore_mem>>)
    %dma_wait3A_72 = arith.constant 8 : i32
    %dma_wait3A_73 = tpu.memref_slice %arg6[%dma_wait3A_72] : memref<144xi32, #tpu.memory_space<vmem>> -> memref<8xi32, #tpu.memory_space<vmem>>
    %dma_wait3A_74 = arith.constant 0 : i32
    %dma_wait3A_75 = arith.constant 0 : i32
    %dma_wait3A_76 = tpu.memref_slice %arg2[%dma_wait3A_74, %dma_wait3A_75] : memref<8192x4096xf32, #tpu.memory_space<hbm>> -> memref<8192x4096xf32, #tpu.memory_space<hbm>>
    tpu.wait_indirect_dma semaphore(%arg11 : memref<!tpu.dma_semaphore, #tpu.memory_space<semaphore_mem>>) src(%dma_wait3A_76 : memref<8192x4096xf32, #tpu.memory_space<hbm>>) dst(%arg8 : memref<8x4096xf32, #tpu.memory_space<vmem>>)
    %add3A_77 = arith.constant 8 : i32
    %add3A_78 = arith.addi %mul3A_2, %add3A_77 : i32
    %dma_start3A_79 = arith.constant 0 : i32
    %dma_start3A_80 = tpu.memref_slice %arg4[%add3A_78, %dma_start3A_79] : memref<4096x4096xf32, #tpu.memory_space<hbm>> -> memref<8x4096xf32, #tpu.memory_space<hbm>>
    %dma_start3A_81 = arith.constant 0 : i32
    %dma_start3A_82 = tpu.memref_slice %arg4[%add3A_78, %dma_start3A_81] : memref<4096x4096xf32, #tpu.memory_space<hbm>> -> memref<8x4096xf32, #tpu.memory_space<hbm>>
    tpu.enqueue_dma source(%arg8 : memref<8x4096xf32, #tpu.memory_space<vmem>>) target(%dma_start3A_82 : memref<8x4096xf32, #tpu.memory_space<hbm>>) target_semaphore(%arg14 : memref<!tpu.dma_semaphore, #tpu.memory_space<semaphore_mem>>)
    %add3A_83 = arith.constant 8 : i32
    %add3A_84 = arith.addi %mul3A_2, %add3A_83 : i32
    %dma_wait3A_85 = arith.constant 0 : i32
    %dma_wait3A_86 = tpu.memref_slice %arg4[%add3A_84, %dma_wait3A_85] : memref<4096x4096xf32, #tpu.memory_space<hbm>> -> memref<8x4096xf32, #tpu.memory_space<hbm>>
    %dma_wait3A_87 = arith.constant 0 : i32
    %dma_wait3A_88 = tpu.memref_slice %arg4[%add3A_84, %dma_wait3A_87] : memref<4096x4096xf32, #tpu.memory_space<hbm>> -> memref<8x4096xf32, #tpu.memory_space<hbm>>
    tpu.wait_dma2 semaphore(%arg14 : memref<!tpu.dma_semaphore, #tpu.memory_space<semaphore_mem>>) src(%arg8 : memref<8x4096xf32, #tpu.memory_space<vmem>>) dst(%dma_wait3A_88 : memref<8x4096xf32, #tpu.memory_space<hbm>>)
    %dma_start3A_89 = arith.constant 32 : i32
    %dma_start3A_90 = tpu.memref_slice %arg6[%dma_start3A_89] : memref<144xi32, #tpu.memory_space<vmem>> -> memref<8xi32, #tpu.memory_space<vmem>>
    %dma_start3A_91 = arith.constant 0 : i32
    %dma_start3A_92 = arith.constant 0 : i32
    %dma_start3A_93 = tpu.memref_slice %arg2[%dma_start3A_91, %dma_start3A_92] : memref<8192x4096xf32, #tpu.memory_space<hbm>> -> memref<8192x4096xf32, #tpu.memory_space<hbm>>
    tpu.enqueue_indirect_dma source(%dma_start3A_93 : memref<8192x4096xf32, #tpu.memory_space<hbm>>) target(%arg8 : memref<8x4096xf32, #tpu.memory_space<vmem>>) offsets(%dma_start3A_90 : memref<8xi32, #tpu.memory_space<vmem>>) semaphore(%arg11 : memref<!tpu.dma_semaphore, #tpu.memory_space<semaphore_mem>>)
    %dma_wait3A_94 = arith.constant 16 : i32
    %dma_wait3A_95 = tpu.memref_slice %arg6[%dma_wait3A_94] : memref<144xi32, #tpu.memory_space<vmem>> -> memref<8xi32, #tpu.memory_space<vmem>>
    %dma_wait3A_96 = arith.constant 0 : i32
    %dma_wait3A_97 = arith.constant 0 : i32
    %dma_wait3A_98 = tpu.memref_slice %arg2[%dma_wait3A_96, %dma_wait3A_97] : memref<8192x4096xf32, #tpu.memory_space<hbm>> -> memref<8192x4096xf32, #tpu.memory_space<hbm>>
    tpu.wait_indirect_dma semaphore(%arg12 : memref<!tpu.dma_semaphore, #tpu.memory_space<semaphore_mem>>) src(%dma_wait3A_98 : memref<8192x4096xf32, #tpu.memory_space<hbm>>) dst(%arg9 : memref<8x4096xf32, #tpu.memory_space<vmem>>)
    %add3A_99 = arith.constant 16 : i32
    %add3A_100 = arith.addi %mul3A_2, %add3A_99 : i32
    %dma_start3A_101 = arith.constant 0 : i32
    %dma_start3A_102 = tpu.memref_slice %arg4[%add3A_100, %dma_start3A_101] : memref<4096x4096xf32, #tpu.memory_space<hbm>> -> memref<8x4096xf32, #tpu.memory_space<hbm>>
    %dma_start3A_103 = arith.constant 0 : i32
    %dma_start3A_104 = tpu.memref_slice %arg4[%add3A_100, %dma_start3A_103] : memref<4096x4096xf32, #tpu.memory_space<hbm>> -> memref<8x4096xf32, #tpu.memory_space<hbm>>
    tpu.enqueue_dma source(%arg9 : memref<8x4096xf32, #tpu.memory_space<vmem>>) target(%dma_start3A_104 : memref<8x4096xf32, #tpu.memory_space<hbm>>) target_semaphore(%arg15 : memref<!tpu.dma_semaphore, #tpu.memory_space<semaphore_mem>>)
    %add3A_105 = arith.constant 16 : i32
    %add3A_106 = arith.addi %mul3A_2, %add3A_105 : i32
    %dma_wait3A_107 = arith.constant 0 : i32
    %dma_wait3A_108 = tpu.memref_slice %arg4[%add3A_106, %dma_wait3A_107] : memref<4096x4096xf32, #tpu.memory_space<hbm>> -> memref<8x4096xf32, #tpu.memory_space<hbm>>
    %dma_wait3A_109 = arith.constant 0 : i32
    %dma_wait3A_110 = tpu.memref_slice %arg4[%add3A_106, %dma_wait3A_109] : memref<4096x4096xf32, #tpu.memory_space<hbm>> -> memref<8x4096xf32, #tpu.memory_space<hbm>>
    tpu.wait_dma2 semaphore(%arg15 : memref<!tpu.dma_semaphore, #tpu.memory_space<semaphore_mem>>) src(%arg9 : memref<8x4096xf32, #tpu.memory_space<vmem>>) dst(%dma_wait3A_110 : memref<8x4096xf32, #tpu.memory_space<hbm>>)
    %dma_start3A_111 = arith.constant 40 : i32
    %dma_start3A_112 = tpu.memref_slice %arg6[%dma_start3A_111] : memref<144xi32, #tpu.memory_space<vmem>> -> memref<8xi32, #tpu.memory_space<vmem>>
    %dma_start3A_113 = arith.constant 0 : i32
    %dma_start3A_114 = arith.constant 0 : i32
    %dma_start3A_115 = tpu.memref_slice %arg2[%dma_start3A_113, %dma_start3A_114] : memref<8192x4096xf32, #tpu.memory_space<hbm>> -> memref<8192x4096xf32, #tpu.memory_space<hbm>>
    tpu.enqueue_indirect_dma source(%dma_start3A_115 : memref<8192x4096xf32, #tpu.memory_space<hbm>>) target(%arg9 : memref<8x4096xf32, #tpu.memory_space<vmem>>) offsets(%dma_start3A_112 : memref<8xi32, #tpu.memory_space<vmem>>) semaphore(%arg12 : memref<!tpu.dma_semaphore, #tpu.memory_space<semaphore_mem>>)
    %dma_wait3A_116 = arith.constant 24 : i32
    %dma_wait3A_117 = tpu.memref_slice %arg6[%dma_wait3A_116] : memref<144xi32, #tpu.memory_space<vmem>> -> memref<8xi32, #tpu.memory_space<vmem>>
    %dma_wait3A_118 = arith.constant 0 : i32
    %dma_wait3A_119 = arith.constant 0 : i32
    %dma_wait3A_120 = tpu.memref_slice %arg2[%dma_wait3A_118, %dma_wait3A_119] : memref<8192x4096xf32, #tpu.memory_space<hbm>> -> memref<8192x4096xf32, #tpu.memory_space<hbm>>
    tpu.wait_indirect_dma semaphore(%arg10 : memref<!tpu.dma_semaphore, #tpu.memory_space<semaphore_mem>>) src(%dma_wait3A_120 : memref<8192x4096xf32, #tpu.memory_space<hbm>>) dst(%arg7 : memref<8x4096xf32, #tpu.memory_space<vmem>>)
    %add3A_121 = arith.constant 24 : i32
    %add3A_122 = arith.addi %mul3A_2, %add3A_121 : i32
    %dma_start3A_123 = arith.constant 0 : i32
    %dma_start3A_124 = tpu.memref_slice %arg4[%add3A_122, %dma_start3A_123] : memref<4096x4096xf32, #tpu.memory_space<hbm>> -> memref<8x4096xf32, #tpu.memory_space<hbm>>
    %dma_start3A_125 = arith.constant 0 : i32
    %dma_start3A_126 = tpu.memref_slice %arg4[%add3A_122, %dma_start3A_125] : memref<4096x4096xf32, #tpu.memory_space<hbm>> -> memref<8x4096xf32, #tpu.memory_space<hbm>>
    tpu.enqueue_dma source(%arg7 : memref<8x4096xf32, #tpu.memory_space<vmem>>) target(%dma_start3A_126 : memref<8x4096xf32, #tpu.memory_space<hbm>>) target_semaphore(%arg13 : memref<!tpu.dma_semaphore, #tpu.memory_space<semaphore_mem>>)
    %add3A_127 = arith.constant 24 : i32
    %add3A_128 = arith.addi %mul3A_2, %add3A_127 : i32
    %dma_wait3A_129 = arith.constant 0 : i32
    %dma_wait3A_130 = tpu.memref_slice %arg4[%add3A_128, %dma_wait3A_129] : memref<4096x4096xf32, #tpu.memory_space<hbm>> -> memref<8x4096xf32, #tpu.memory_space<hbm>>
    %dma_wait3A_131 = arith.constant 0 : i32
    %dma_wait3A_132 = tpu.memref_slice %arg4[%add3A_128, %dma_wait3A_131] : memref<4096x4096xf32, #tpu.memory_space<hbm>> -> memref<8x4096xf32, #tpu.memory_space<hbm>>
    tpu.wait_dma2 semaphore(%arg13 : memref<!tpu.dma_semaphore, #tpu.memory_space<semaphore_mem>>) src(%arg7 : memref<8x4096xf32, #tpu.memory_space<vmem>>) dst(%dma_wait3A_132 : memref<8x4096xf32, #tpu.memory_space<hbm>>)
    %dma_start3A_133 = arith.constant 48 : i32
    %dma_start3A_134 = tpu.memref_slice %arg6[%dma_start3A_133] : memref<144xi32, #tpu.memory_space<vmem>> -> memref<8xi32, #tpu.memory_space<vmem>>
    %dma_start3A_135 = arith.constant 0 : i32
    %dma_start3A_136 = arith.constant 0 : i32
    %dma_start3A_137 = tpu.memref_slice %arg2[%dma_start3A_135, %dma_start3A_136] : memref<8192x4096xf32, #tpu.memory_space<hbm>> -> memref<8192x4096xf32, #tpu.memory_space<hbm>>
    tpu.enqueue_indirect_dma source(%dma_start3A_137 : memref<8192x4096xf32, #tpu.memory_space<hbm>>) target(%arg7 : memref<8x4096xf32, #tpu.memory_space<vmem>>) offsets(%dma_start3A_134 : memref<8xi32, #tpu.memory_space<vmem>>) semaphore(%arg10 : memref<!tpu.dma_semaphore, #tpu.memory_space<semaphore_mem>>)
    %dma_wait3A_138 = arith.constant 32 : i32
    %dma_wait3A_139 = tpu.memref_slice %arg6[%dma_wait3A_138] : memref<144xi32, #tpu.memory_space<vmem>> -> memref<8xi32, #tpu.memory_space<vmem>>
    %dma_wait3A_140 = arith.constant 0 : i32
    %dma_wait3A_141 = arith.constant 0 : i32
    %dma_wait3A_142 = tpu.memref_slice %arg2[%dma_wait3A_140, %dma_wait3A_141] : memref<8192x4096xf32, #tpu.memory_space<hbm>> -> memref<8192x4096xf32, #tpu.memory_space<hbm>>
    tpu.wait_indirect_dma semaphore(%arg11 : memref<!tpu.dma_semaphore, #tpu.memory_space<semaphore_mem>>) src(%dma_wait3A_142 : memref<8192x4096xf32, #tpu.memory_space<hbm>>) dst(%arg8 : memref<8x4096xf32, #tpu.memory_space<vmem>>)
    %add3A_143 = arith.constant 32 : i32
    %add3A_144 = arith.addi %mul3A_2, %add3A_143 : i32
    %dma_start3A_145 = arith.constant 0 : i32
    %dma_start3A_146 = tpu.memref_slice %arg4[%add3A_144, %dma_start3A_145] : memref<4096x4096xf32, #tpu.memory_space<hbm>> -> memref<8x4096xf32, #tpu.memory_space<hbm>>
    %dma_start3A_147 = arith.constant 0 : i32
    %dma_start3A_148 = tpu.memref_slice %arg4[%add3A_144, %dma_start3A_147] : memref<4096x4096xf32, #tpu.memory_space<hbm>> -> memref<8x4096xf32, #tpu.memory_space<hbm>>
    tpu.enqueue_dma source(%arg8 : memref<8x4096xf32, #tpu.memory_space<vmem>>) target(%dma_start3A_148 : memref<8x4096xf32, #tpu.memory_space<hbm>>) target_semaphore(%arg14 : memref<!tpu.dma_semaphore, #tpu.memory_space<semaphore_mem>>)
    %add3A_149 = arith.constant 32 : i32
    %add3A_150 = arith.addi %mul3A_2, %add3A_149 : i32
    %dma_wait3A_151 = arith.constant 0 : i32
    %dma_wait3A_152 = tpu.memref_slice %arg4[%add3A_150, %dma_wait3A_151] : memref<4096x4096xf32, #tpu.memory_space<hbm>> -> memref<8x4096xf32, #tpu.memory_space<hbm>>
    %dma_wait3A_153 = arith.constant 0 : i32
    %dma_wait3A_154 = tpu.memref_slice %arg4[%add3A_150, %dma_wait3A_153] : memref<4096x4096xf32, #tpu.memory_space<hbm>> -> memref<8x4096xf32, #tpu.memory_space<hbm>>
    tpu.wait_dma2 semaphore(%arg14 : memref<!tpu.dma_semaphore, #tpu.memory_space<semaphore_mem>>) src(%arg8 : memref<8x4096xf32, #tpu.memory_space<vmem>>) dst(%dma_wait3A_154 : memref<8x4096xf32, #tpu.memory_space<hbm>>)
    %dma_start3A_155 = arith.constant 56 : i32
    %dma_start3A_156 = tpu.memref_slice %arg6[%dma_start3A_155] : memref<144xi32, #tpu.memory_space<vmem>> -> memref<8xi32, #tpu.memory_space<vmem>>
    %dma_start3A_157 = arith.constant 0 : i32
    %dma_start3A_158 = arith.constant 0 : i32
    %dma_start3A_159 = tpu.memref_slice %arg2[%dma_start3A_157, %dma_start3A_158] : memref<8192x4096xf32, #tpu.memory_space<hbm>> -> memref<8192x4096xf32, #tpu.memory_space<hbm>>
    tpu.enqueue_indirect_dma source(%dma_start3A_159 : memref<8192x4096xf32, #tpu.memory_space<hbm>>) target(%arg8 : memref<8x4096xf32, #tpu.memory_space<vmem>>) offsets(%dma_start3A_156 : memref<8xi32, #tpu.memory_space<vmem>>) semaphore(%arg11 : memref<!tpu.dma_semaphore, #tpu.memory_space<semaphore_mem>>)
    %dma_wait3A_160 = arith.constant 40 : i32
    %dma_wait3A_161 = tpu.memref_slice %arg6[%dma_wait3A_160] : memref<144xi32, #tpu.memory_space<vmem>> -> memref<8xi32, #tpu.memory_space<vmem>>
    %dma_wait3A_162 = arith.constant 0 : i32
    %dma_wait3A_163 = arith.constant 0 : i32
    %dma_wait3A_164 = tpu.memref_slice %arg2[%dma_wait3A_162, %dma_wait3A_163] : memref<8192x4096xf32, #tpu.memory_space<hbm>> -> memref<8192x4096xf32, #tpu.memory_space<hbm>>
    tpu.wait_indirect_dma semaphore(%arg12 : memref<!tpu.dma_semaphore, #tpu.memory_space<semaphore_mem>>) src(%dma_wait3A_164 : memref<8192x4096xf32, #tpu.memory_space<hbm>>) dst(%arg9 : memref<8x4096xf32, #tpu.memory_space<vmem>>)
    %add3A_165 = arith.constant 40 : i32
    %add3A_166 = arith.addi %mul3A_2, %add3A_165 : i32
    %dma_start3A_167 = arith.constant 0 : i32
    %dma_start3A_168 = tpu.memref_slice %arg4[%add3A_166, %dma_start3A_167] : memref<4096x4096xf32, #tpu.memory_space<hbm>> -> memref<8x4096xf32, #tpu.memory_space<hbm>>
    %dma_start3A_169 = arith.constant 0 : i32
    %dma_start3A_170 = tpu.memref_slice %arg4[%add3A_166, %dma_start3A_169] : memref<4096x4096xf32, #tpu.memory_space<hbm>> -> memref<8x4096xf32, #tpu.memory_space<hbm>>
    tpu.enqueue_dma source(%arg9 : memref<8x4096xf32, #tpu.memory_space<vmem>>) target(%dma_start3A_170 : memref<8x4096xf32, #tpu.memory_space<hbm>>) target_semaphore(%arg15 : memref<!tpu.dma_semaphore, #tpu.memory_space<semaphore_mem>>)
    %add3A_171 = arith.constant 40 : i32
    %add3A_172 = arith.addi %mul3A_2, %add3A_171 : i32
    %dma_wait3A_173 = arith.constant 0 : i32
    %dma_wait3A_174 = tpu.memref_slice %arg4[%add3A_172, %dma_wait3A_173] : memref<4096x4096xf32, #tpu.memory_space<hbm>> -> memref<8x4096xf32, #tpu.memory_space<hbm>>
    %dma_wait3A_175 = arith.constant 0 : i32
    %dma_wait3A_176 = tpu.memref_slice %arg4[%add3A_172, %dma_wait3A_175] : memref<4096x4096xf32, #tpu.memory_space<hbm>> -> memref<8x4096xf32, #tpu.memory_space<hbm>>
    tpu.wait_dma2 semaphore(%arg15 : memref<!tpu.dma_semaphore, #tpu.memory_space<semaphore_mem>>) src(%arg9 : memref<8x4096xf32, #tpu.memory_space<vmem>>) dst(%dma_wait3A_176 : memref<8x4096xf32, #tpu.memory_space<hbm>>)
    %dma_start3A_177 = arith.constant 64 : i32
    %dma_start3A_178 = tpu.memref_slice %arg6[%dma_start3A_177] : memref<144xi32, #tpu.memory_space<vmem>> -> memref<8xi32, #tpu.memory_space<vmem>>
    %dma_start3A_179 = arith.constant 0 : i32
    %dma_start3A_180 = arith.constant 0 : i32
    %dma_start3A_181 = tpu.memref_slice %arg2[%dma_start3A_179, %dma_start3A_180] : memref<8192x4096xf32, #tpu.memory_space<hbm>> -> memref<8192x4096xf32, #tpu.memory_space<hbm>>
    tpu.enqueue_indirect_dma source(%dma_start3A_181 : memref<8192x4096xf32, #tpu.memory_space<hbm>>) target(%arg9 : memref<8x4096xf32, #tpu.memory_space<vmem>>) offsets(%dma_start3A_178 : memref<8xi32, #tpu.memory_space<vmem>>) semaphore(%arg12 : memref<!tpu.dma_semaphore, #tpu.memory_space<semaphore_mem>>)
    %dma_wait3A_182 = arith.constant 48 : i32
    %dma_wait3A_183 = tpu.memref_slice %arg6[%dma_wait3A_182] : memref<144xi32, #tpu.memory_space<vmem>> -> memref<8xi32, #tpu.memory_space<vmem>>
    %dma_wait3A_184 = arith.constant 0 : i32
    %dma_wait3A_185 = arith.constant 0 : i32
    %dma_wait3A_186 = tpu.memref_slice %arg2[%dma_wait3A_184, %dma_wait3A_185] : memref<8192x4096xf32, #tpu.memory_space<hbm>> -> memref<8192x4096xf32, #tpu.memory_space<hbm>>
    tpu.wait_indirect_dma semaphore(%arg10 : memref<!tpu.dma_semaphore, #tpu.memory_space<semaphore_mem>>) src(%dma_wait3A_186 : memref<8192x4096xf32, #tpu.memory_space<hbm>>) dst(%arg7 : memref<8x4096xf32, #tpu.memory_space<vmem>>)
    %add3A_187 = arith.constant 48 : i32
    %add3A_188 = arith.addi %mul3A_2, %add3A_187 : i32
    %dma_start3A_189 = arith.constant 0 : i32
    %dma_start3A_190 = tpu.memref_slice %arg4[%add3A_188, %dma_start3A_189] : memref<4096x4096xf32, #tpu.memory_space<hbm>> -> memref<8x4096xf32, #tpu.memory_space<hbm>>
    %dma_start3A_191 = arith.constant 0 : i32
    %dma_start3A_192 = tpu.memref_slice %arg4[%add3A_188, %dma_start3A_191] : memref<4096x4096xf32, #tpu.memory_space<hbm>> -> memref<8x4096xf32, #tpu.memory_space<hbm>>
    tpu.enqueue_dma source(%arg7 : memref<8x4096xf32, #tpu.memory_space<vmem>>) target(%dma_start3A_192 : memref<8x4096xf32, #tpu.memory_space<hbm>>) target_semaphore(%arg13 : memref<!tpu.dma_semaphore, #tpu.memory_space<semaphore_mem>>)
    %add3A_193 = arith.constant 48 : i32
    %add3A_194 = arith.addi %mul3A_2, %add3A_193 : i32
    %dma_wait3A_195 = arith.constant 0 : i32
    %dma_wait3A_196 = tpu.memref_slice %arg4[%add3A_194, %dma_wait3A_195] : memref<4096x4096xf32, #tpu.memory_space<hbm>> -> memref<8x4096xf32, #tpu.memory_space<hbm>>
    %dma_wait3A_197 = arith.constant 0 : i32
    %dma_wait3A_198 = tpu.memref_slice %arg4[%add3A_194, %dma_wait3A_197] : memref<4096x4096xf32, #tpu.memory_space<hbm>> -> memref<8x4096xf32, #tpu.memory_space<hbm>>
    tpu.wait_dma2 semaphore(%arg13 : memref<!tpu.dma_semaphore, #tpu.memory_space<semaphore_mem>>) src(%arg7 : memref<8x4096xf32, #tpu.memory_space<vmem>>) dst(%dma_wait3A_198 : memref<8x4096xf32, #tpu.memory_space<hbm>>)
    %dma_start3A_199 = arith.constant 72 : i32
    %dma_start3A_200 = tpu.memref_slice %arg6[%dma_start3A_199] : memref<144xi32, #tpu.memory_space<vmem>> -> memref<8xi32, #tpu.memory_space<vmem>>
    %dma_start3A_201 = arith.constant 0 : i32
    %dma_start3A_202 = arith.constant 0 : i32
    %dma_start3A_203 = tpu.memref_slice %arg2[%dma_start3A_201, %dma_start3A_202] : memref<8192x4096xf32, #tpu.memory_space<hbm>> -> memref<8192x4096xf32, #tpu.memory_space<hbm>>
    tpu.enqueue_indirect_dma source(%dma_start3A_203 : memref<8192x4096xf32, #tpu.memory_space<hbm>>) target(%arg7 : memref<8x4096xf32, #tpu.memory_space<vmem>>) offsets(%dma_start3A_200 : memref<8xi32, #tpu.memory_space<vmem>>) semaphore(%arg10 : memref<!tpu.dma_semaphore, #tpu.memory_space<semaphore_mem>>)
    %dma_wait3A_204 = arith.constant 56 : i32
    %dma_wait3A_205 = tpu.memref_slice %arg6[%dma_wait3A_204] : memref<144xi32, #tpu.memory_space<vmem>> -> memref<8xi32, #tpu.memory_space<vmem>>
    %dma_wait3A_206 = arith.constant 0 : i32
    %dma_wait3A_207 = arith.constant 0 : i32
    %dma_wait3A_208 = tpu.memref_slice %arg2[%dma_wait3A_206, %dma_wait3A_207] : memref<8192x4096xf32, #tpu.memory_space<hbm>> -> memref<8192x4096xf32, #tpu.memory_space<hbm>>
    tpu.wait_indirect_dma semaphore(%arg11 : memref<!tpu.dma_semaphore, #tpu.memory_space<semaphore_mem>>) src(%dma_wait3A_208 : memref<8192x4096xf32, #tpu.memory_space<hbm>>) dst(%arg8 : memref<8x4096xf32, #tpu.memory_space<vmem>>)
    %add3A_209 = arith.constant 56 : i32
    %add3A_210 = arith.addi %mul3A_2, %add3A_209 : i32
    %dma_start3A_211 = arith.constant 0 : i32
    %dma_start3A_212 = tpu.memref_slice %arg4[%add3A_210, %dma_start3A_211] : memref<4096x4096xf32, #tpu.memory_space<hbm>> -> memref<8x4096xf32, #tpu.memory_space<hbm>>
    %dma_start3A_213 = arith.constant 0 : i32
    %dma_start3A_214 = tpu.memref_slice %arg4[%add3A_210, %dma_start3A_213] : memref<4096x4096xf32, #tpu.memory_space<hbm>> -> memref<8x4096xf32, #tpu.memory_space<hbm>>
    tpu.enqueue_dma source(%arg8 : memref<8x4096xf32, #tpu.memory_space<vmem>>) target(%dma_start3A_214 : memref<8x4096xf32, #tpu.memory_space<hbm>>) target_semaphore(%arg14 : memref<!tpu.dma_semaphore, #tpu.memory_space<semaphore_mem>>)
    %add3A_215 = arith.constant 56 : i32
    %add3A_216 = arith.addi %mul3A_2, %add3A_215 : i32
    %dma_wait3A_217 = arith.constant 0 : i32
    %dma_wait3A_218 = tpu.memref_slice %arg4[%add3A_216, %dma_wait3A_217] : memref<4096x4096xf32, #tpu.memory_space<hbm>> -> memref<8x4096xf32, #tpu.memory_space<hbm>>
    %dma_wait3A_219 = arith.constant 0 : i32
    %dma_wait3A_220 = tpu.memref_slice %arg4[%add3A_216, %dma_wait3A_219] : memref<4096x4096xf32, #tpu.memory_space<hbm>> -> memref<8x4096xf32, #tpu.memory_space<hbm>>
    tpu.wait_dma2 semaphore(%arg14 : memref<!tpu.dma_semaphore, #tpu.memory_space<semaphore_mem>>) src(%arg8 : memref<8x4096xf32, #tpu.memory_space<vmem>>) dst(%dma_wait3A_220 : memref<8x4096xf32, #tpu.memory_space<hbm>>)
    %dma_start3A_221 = arith.constant 80 : i32
    %dma_start3A_222 = tpu.memref_slice %arg6[%dma_start3A_221] : memref<144xi32, #tpu.memory_space<vmem>> -> memref<8xi32, #tpu.memory_space<vmem>>
    %dma_start3A_223 = arith.constant 0 : i32
    %dma_start3A_224 = arith.constant 0 : i32
    %dma_start3A_225 = tpu.memref_slice %arg2[%dma_start3A_223, %dma_start3A_224] : memref<8192x4096xf32, #tpu.memory_space<hbm>> -> memref<8192x4096xf32, #tpu.memory_space<hbm>>
    tpu.enqueue_indirect_dma source(%dma_start3A_225 : memref<8192x4096xf32, #tpu.memory_space<hbm>>) target(%arg8 : memref<8x4096xf32, #tpu.memory_space<vmem>>) offsets(%dma_start3A_222 : memref<8xi32, #tpu.memory_space<vmem>>) semaphore(%arg11 : memref<!tpu.dma_semaphore, #tpu.memory_space<semaphore_mem>>)
    %dma_wait3A_226 = arith.constant 64 : i32
    %dma_wait3A_227 = tpu.memref_slice %arg6[%dma_wait3A_226] : memref<144xi32, #tpu.memory_space<vmem>> -> memref<8xi32, #tpu.memory_space<vmem>>
    %dma_wait3A_228 = arith.constant 0 : i32
    %dma_wait3A_229 = arith.constant 0 : i32
    %dma_wait3A_230 = tpu.memref_slice %arg2[%dma_wait3A_228, %dma_wait3A_229] : memref<8192x4096xf32, #tpu.memory_space<hbm>> -> memref<8192x4096xf32, #tpu.memory_space<hbm>>
    tpu.wait_indirect_dma semaphore(%arg12 : memref<!tpu.dma_semaphore, #tpu.memory_space<semaphore_mem>>) src(%dma_wait3A_230 : memref<8192x4096xf32, #tpu.memory_space<hbm>>) dst(%arg9 : memref<8x4096xf32, #tpu.memory_space<vmem>>)
    %add3A_231 = arith.constant 64 : i32
    %add3A_232 = arith.addi %mul3A_2, %add3A_231 : i32
    %dma_start3A_233 = arith.constant 0 : i32
    %dma_start3A_234 = tpu.memref_slice %arg4[%add3A_232, %dma_start3A_233] : memref<4096x4096xf32, #tpu.memory_space<hbm>> -> memref<8x4096xf32, #tpu.memory_space<hbm>>
    %dma_start3A_235 = arith.constant 0 : i32
    %dma_start3A_236 = tpu.memref_slice %arg4[%add3A_232, %dma_start3A_235] : memref<4096x4096xf32, #tpu.memory_space<hbm>> -> memref<8x4096xf32, #tpu.memory_space<hbm>>
    tpu.enqueue_dma source(%arg9 : memref<8x4096xf32, #tpu.memory_space<vmem>>) target(%dma_start3A_236 : memref<8x4096xf32, #tpu.memory_space<hbm>>) target_semaphore(%arg15 : memref<!tpu.dma_semaphore, #tpu.memory_space<semaphore_mem>>)
    %add3A_237 = arith.constant 64 : i32
    %add3A_238 = arith.addi %mul3A_2, %add3A_237 : i32
    %dma_wait3A_239 = arith.constant 0 : i32
    %dma_wait3A_240 = tpu.memref_slice %arg4[%add3A_238, %dma_wait3A_239] : memref<4096x4096xf32, #tpu.memory_space<hbm>> -> memref<8x4096xf32, #tpu.memory_space<hbm>>
    %dma_wait3A_241 = arith.constant 0 : i32
    %dma_wait3A_242 = tpu.memref_slice %arg4[%add3A_238, %dma_wait3A_241] : memref<4096x4096xf32, #tpu.memory_space<hbm>> -> memref<8x4096xf32, #tpu.memory_space<hbm>>
    tpu.wait_dma2 semaphore(%arg15 : memref<!tpu.dma_semaphore, #tpu.memory_space<semaphore_mem>>) src(%arg9 : memref<8x4096xf32, #tpu.memory_space<vmem>>) dst(%dma_wait3A_242 : memref<8x4096xf32, #tpu.memory_space<hbm>>)
    %dma_start3A_243 = arith.constant 88 : i32
    %dma_start3A_244 = tpu.memref_slice %arg6[%dma_start3A_243] : memref<144xi32, #tpu.memory_space<vmem>> -> memref<8xi32, #tpu.memory_space<vmem>>
    %dma_start3A_245 = arith.constant 0 : i32
    %dma_start3A_246 = arith.constant 0 : i32
    %dma_start3A_247 = tpu.memref_slice %arg2[%dma_start3A_245, %dma_start3A_246] : memref<8192x4096xf32, #tpu.memory_space<hbm>> -> memref<8192x4096xf32, #tpu.memory_space<hbm>>
    tpu.enqueue_indirect_dma source(%dma_start3A_247 : memref<8192x4096xf32, #tpu.memory_space<hbm>>) target(%arg9 : memref<8x4096xf32, #tpu.memory_space<vmem>>) offsets(%dma_start3A_244 : memref<8xi32, #tpu.memory_space<vmem>>) semaphore(%arg12 : memref<!tpu.dma_semaphore, #tpu.memory_space<semaphore_mem>>)
    %dma_wait3A_248 = arith.constant 72 : i32
    %dma_wait3A_249 = tpu.memref_slice %arg6[%dma_wait3A_248] : memref<144xi32, #tpu.memory_space<vmem>> -> memref<8xi32, #tpu.memory_space<vmem>>
    %dma_wait3A_250 = arith.constant 0 : i32
    %dma_wait3A_251 = arith.constant 0 : i32
    %dma_wait3A_252 = tpu.memref_slice %arg2[%dma_wait3A_250, %dma_wait3A_251] : memref<8192x4096xf32, #tpu.memory_space<hbm>> -> memref<8192x4096xf32, #tpu.memory_space<hbm>>
    tpu.wait_indirect_dma semaphore(%arg10 : memref<!tpu.dma_semaphore, #tpu.memory_space<semaphore_mem>>) src(%dma_wait3A_252 : memref<8192x4096xf32, #tpu.memory_space<hbm>>) dst(%arg7 : memref<8x4096xf32, #tpu.memory_space<vmem>>)
    %add3A_253 = arith.constant 72 : i32
    %add3A_254 = arith.addi %mul3A_2, %add3A_253 : i32
    %dma_start3A_255 = arith.constant 0 : i32
    %dma_start3A_256 = tpu.memref_slice %arg4[%add3A_254, %dma_start3A_255] : memref<4096x4096xf32, #tpu.memory_space<hbm>> -> memref<8x4096xf32, #tpu.memory_space<hbm>>
    %dma_start3A_257 = arith.constant 0 : i32
    %dma_start3A_258 = tpu.memref_slice %arg4[%add3A_254, %dma_start3A_257] : memref<4096x4096xf32, #tpu.memory_space<hbm>> -> memref<8x4096xf32, #tpu.memory_space<hbm>>
    tpu.enqueue_dma source(%arg7 : memref<8x4096xf32, #tpu.memory_space<vmem>>) target(%dma_start3A_258 : memref<8x4096xf32, #tpu.memory_space<hbm>>) target_semaphore(%arg13 : memref<!tpu.dma_semaphore, #tpu.memory_space<semaphore_mem>>)
    %add3A_259 = arith.constant 72 : i32
    %add3A_260 = arith.addi %mul3A_2, %add3A_259 : i32
    %dma_wait3A_261 = arith.constant 0 : i32
    %dma_wait3A_262 = tpu.memref_slice %arg4[%add3A_260, %dma_wait3A_261] : memref<4096x4096xf32, #tpu.memory_space<hbm>> -> memref<8x4096xf32, #tpu.memory_space<hbm>>
    %dma_wait3A_263 = arith.constant 0 : i32
    %dma_wait3A_264 = tpu.memref_slice %arg4[%add3A_260, %dma_wait3A_263] : memref<4096x4096xf32, #tpu.memory_space<hbm>> -> memref<8x4096xf32, #tpu.memory_space<hbm>>
    tpu.wait_dma2 semaphore(%arg13 : memref<!tpu.dma_semaphore, #tpu.memory_space<semaphore_mem>>) src(%arg7 : memref<8x4096xf32, #tpu.memory_space<vmem>>) dst(%dma_wait3A_264 : memref<8x4096xf32, #tpu.memory_space<hbm>>)
    %dma_start3A_265 = arith.constant 96 : i32
    %dma_start3A_266 = tpu.memref_slice %arg6[%dma_start3A_265] : memref<144xi32, #tpu.memory_space<vmem>> -> memref<8xi32, #tpu.memory_space<vmem>>
    %dma_start3A_267 = arith.constant 0 : i32
    %dma_start3A_268 = arith.constant 0 : i32
    %dma_start3A_269 = tpu.memref_slice %arg2[%dma_start3A_267, %dma_start3A_268] : memref<8192x4096xf32, #tpu.memory_space<hbm>> -> memref<8192x4096xf32, #tpu.memory_space<hbm>>
    tpu.enqueue_indirect_dma source(%dma_start3A_269 : memref<8192x4096xf32, #tpu.memory_space<hbm>>) target(%arg7 : memref<8x4096xf32, #tpu.memory_space<vmem>>) offsets(%dma_start3A_266 : memref<8xi32, #tpu.memory_space<vmem>>) semaphore(%arg10 : memref<!tpu.dma_semaphore, #tpu.memory_space<semaphore_mem>>)
    %dma_wait3A_270 = arith.constant 80 : i32
    %dma_wait3A_271 = tpu.memref_slice %arg6[%dma_wait3A_270] : memref<144xi32, #tpu.memory_space<vmem>> -> memref<8xi32, #tpu.memory_space<vmem>>
    %dma_wait3A_272 = arith.constant 0 : i32
    %dma_wait3A_273 = arith.constant 0 : i32
    %dma_wait3A_274 = tpu.memref_slice %arg2[%dma_wait3A_272, %dma_wait3A_273] : memref<8192x4096xf32, #tpu.memory_space<hbm>> -> memref<8192x4096xf32, #tpu.memory_space<hbm>>
    tpu.wait_indirect_dma semaphore(%arg11 : memref<!tpu.dma_semaphore, #tpu.memory_space<semaphore_mem>>) src(%dma_wait3A_274 : memref<8192x4096xf32, #tpu.memory_space<hbm>>) dst(%arg8 : memref<8x4096xf32, #tpu.memory_space<vmem>>)
    %add3A_275 = arith.constant 80 : i32
    %add3A_276 = arith.addi %mul3A_2, %add3A_275 : i32
    %dma_start3A_277 = arith.constant 0 : i32
    %dma_start3A_278 = tpu.memref_slice %arg4[%add3A_276, %dma_start3A_277] : memref<4096x4096xf32, #tpu.memory_space<hbm>> -> memref<8x4096xf32, #tpu.memory_space<hbm>>
    %dma_start3A_279 = arith.constant 0 : i32
    %dma_start3A_280 = tpu.memref_slice %arg4[%add3A_276, %dma_start3A_279] : memref<4096x4096xf32, #tpu.memory_space<hbm>> -> memref<8x4096xf32, #tpu.memory_space<hbm>>
    tpu.enqueue_dma source(%arg8 : memref<8x4096xf32, #tpu.memory_space<vmem>>) target(%dma_start3A_280 : memref<8x4096xf32, #tpu.memory_space<hbm>>) target_semaphore(%arg14 : memref<!tpu.dma_semaphore, #tpu.memory_space<semaphore_mem>>)
    %add3A_281 = arith.constant 80 : i32
    %add3A_282 = arith.addi %mul3A_2, %add3A_281 : i32
    %dma_wait3A_283 = arith.constant 0 : i32
    %dma_wait3A_284 = tpu.memref_slice %arg4[%add3A_282, %dma_wait3A_283] : memref<4096x4096xf32, #tpu.memory_space<hbm>> -> memref<8x4096xf32, #tpu.memory_space<hbm>>
    %dma_wait3A_285 = arith.constant 0 : i32
    %dma_wait3A_286 = tpu.memref_slice %arg4[%add3A_282, %dma_wait3A_285] : memref<4096x4096xf32, #tpu.memory_space<hbm>> -> memref<8x4096xf32, #tpu.memory_space<hbm>>
    tpu.wait_dma2 semaphore(%arg14 : memref<!tpu.dma_semaphore, #tpu.memory_space<semaphore_mem>>) src(%arg8 : memref<8x4096xf32, #tpu.memory_space<vmem>>) dst(%dma_wait3A_286 : memref<8x4096xf32, #tpu.memory_space<hbm>>)
    %dma_start3A_287 = arith.constant 104 : i32
    %dma_start3A_288 = tpu.memref_slice %arg6[%dma_start3A_287] : memref<144xi32, #tpu.memory_space<vmem>> -> memref<8xi32, #tpu.memory_space<vmem>>
    %dma_start3A_289 = arith.constant 0 : i32
    %dma_start3A_290 = arith.constant 0 : i32
    %dma_start3A_291 = tpu.memref_slice %arg2[%dma_start3A_289, %dma_start3A_290] : memref<8192x4096xf32, #tpu.memory_space<hbm>> -> memref<8192x4096xf32, #tpu.memory_space<hbm>>
    tpu.enqueue_indirect_dma source(%dma_start3A_291 : memref<8192x4096xf32, #tpu.memory_space<hbm>>) target(%arg8 : memref<8x4096xf32, #tpu.memory_space<vmem>>) offsets(%dma_start3A_288 : memref<8xi32, #tpu.memory_space<vmem>>) semaphore(%arg11 : memref<!tpu.dma_semaphore, #tpu.memory_space<semaphore_mem>>)
    %dma_wait3A_292 = arith.constant 88 : i32
    %dma_wait3A_293 = tpu.memref_slice %arg6[%dma_wait3A_292] : memref<144xi32, #tpu.memory_space<vmem>> -> memref<8xi32, #tpu.memory_space<vmem>>
    %dma_wait3A_294 = arith.constant 0 : i32
    %dma_wait3A_295 = arith.constant 0 : i32
    %dma_wait3A_296 = tpu.memref_slice %arg2[%dma_wait3A_294, %dma_wait3A_295] : memref<8192x4096xf32, #tpu.memory_space<hbm>> -> memref<8192x4096xf32, #tpu.memory_space<hbm>>
    tpu.wait_indirect_dma semaphore(%arg12 : memref<!tpu.dma_semaphore, #tpu.memory_space<semaphore_mem>>) src(%dma_wait3A_296 : memref<8192x4096xf32, #tpu.memory_space<hbm>>) dst(%arg9 : memref<8x4096xf32, #tpu.memory_space<vmem>>)
    %add3A_297 = arith.constant 88 : i32
    %add3A_298 = arith.addi %mul3A_2, %add3A_297 : i32
    %dma_start3A_299 = arith.constant 0 : i32
    %dma_start3A_300 = tpu.memref_slice %arg4[%add3A_298, %dma_start3A_299] : memref<4096x4096xf32, #tpu.memory_space<hbm>> -> memref<8x4096xf32, #tpu.memory_space<hbm>>
    %dma_start3A_301 = arith.constant 0 : i32
    %dma_start3A_302 = tpu.memref_slice %arg4[%add3A_298, %dma_start3A_301] : memref<4096x4096xf32, #tpu.memory_space<hbm>> -> memref<8x4096xf32, #tpu.memory_space<hbm>>
    tpu.enqueue_dma source(%arg9 : memref<8x4096xf32, #tpu.memory_space<vmem>>) target(%dma_start3A_302 : memref<8x4096xf32, #tpu.memory_space<hbm>>) target_semaphore(%arg15 : memref<!tpu.dma_semaphore, #tpu.memory_space<semaphore_mem>>)
    %add3A_303 = arith.constant 88 : i32
    %add3A_304 = arith.addi %mul3A_2, %add3A_303 : i32
    %dma_wait3A_305 = arith.constant 0 : i32
    %dma_wait3A_306 = tpu.memref_slice %arg4[%add3A_304, %dma_wait3A_305] : memref<4096x4096xf32, #tpu.memory_space<hbm>> -> memref<8x4096xf32, #tpu.memory_space<hbm>>
    %dma_wait3A_307 = arith.constant 0 : i32
    %dma_wait3A_308 = tpu.memref_slice %arg4[%add3A_304, %dma_wait3A_307] : memref<4096x4096xf32, #tpu.memory_space<hbm>> -> memref<8x4096xf32, #tpu.memory_space<hbm>>
    tpu.wait_dma2 semaphore(%arg15 : memref<!tpu.dma_semaphore, #tpu.memory_space<semaphore_mem>>) src(%arg9 : memref<8x4096xf32, #tpu.memory_space<vmem>>) dst(%dma_wait3A_308 : memref<8x4096xf32, #tpu.memory_space<hbm>>)
    %dma_start3A_309 = arith.constant 112 : i32
    %dma_start3A_310 = tpu.memref_slice %arg6[%dma_start3A_309] : memref<144xi32, #tpu.memory_space<vmem>> -> memref<8xi32, #tpu.memory_space<vmem>>
    %dma_start3A_311 = arith.constant 0 : i32
    %dma_start3A_312 = arith.constant 0 : i32
    %dma_start3A_313 = tpu.memref_slice %arg2[%dma_start3A_311, %dma_start3A_312] : memref<8192x4096xf32, #tpu.memory_space<hbm>> -> memref<8192x4096xf32, #tpu.memory_space<hbm>>
    tpu.enqueue_indirect_dma source(%dma_start3A_313 : memref<8192x4096xf32, #tpu.memory_space<hbm>>) target(%arg9 : memref<8x4096xf32, #tpu.memory_space<vmem>>) offsets(%dma_start3A_310 : memref<8xi32, #tpu.memory_space<vmem>>) semaphore(%arg12 : memref<!tpu.dma_semaphore, #tpu.memory_space<semaphore_mem>>)
    %dma_wait3A_314 = arith.constant 96 : i32
    %dma_wait3A_315 = tpu.memref_slice %arg6[%dma_wait3A_314] : memref<144xi32, #tpu.memory_space<vmem>> -> memref<8xi32, #tpu.memory_space<vmem>>
    %dma_wait3A_316 = arith.constant 0 : i32
    %dma_wait3A_317 = arith.constant 0 : i32
    %dma_wait3A_318 = tpu.memref_slice %arg2[%dma_wait3A_316, %dma_wait3A_317] : memref<8192x4096xf32, #tpu.memory_space<hbm>> -> memref<8192x4096xf32, #tpu.memory_space<hbm>>
    tpu.wait_indirect_dma semaphore(%arg10 : memref<!tpu.dma_semaphore, #tpu.memory_space<semaphore_mem>>) src(%dma_wait3A_318 : memref<8192x4096xf32, #tpu.memory_space<hbm>>) dst(%arg7 : memref<8x4096xf32, #tpu.memory_space<vmem>>)
    %add3A_319 = arith.constant 96 : i32
    %add3A_320 = arith.addi %mul3A_2, %add3A_319 : i32
    %dma_start3A_321 = arith.constant 0 : i32
    %dma_start3A_322 = tpu.memref_slice %arg4[%add3A_320, %dma_start3A_321] : memref<4096x4096xf32, #tpu.memory_space<hbm>> -> memref<8x4096xf32, #tpu.memory_space<hbm>>
    %dma_start3A_323 = arith.constant 0 : i32
    %dma_start3A_324 = tpu.memref_slice %arg4[%add3A_320, %dma_start3A_323] : memref<4096x4096xf32, #tpu.memory_space<hbm>> -> memref<8x4096xf32, #tpu.memory_space<hbm>>
    tpu.enqueue_dma source(%arg7 : memref<8x4096xf32, #tpu.memory_space<vmem>>) target(%dma_start3A_324 : memref<8x4096xf32, #tpu.memory_space<hbm>>) target_semaphore(%arg13 : memref<!tpu.dma_semaphore, #tpu.memory_space<semaphore_mem>>)
    %add3A_325 = arith.constant 96 : i32
    %add3A_326 = arith.addi %mul3A_2, %add3A_325 : i32
    %dma_wait3A_327 = arith.constant 0 : i32
    %dma_wait3A_328 = tpu.memref_slice %arg4[%add3A_326, %dma_wait3A_327] : memref<4096x4096xf32, #tpu.memory_space<hbm>> -> memref<8x4096xf32, #tpu.memory_space<hbm>>
    %dma_wait3A_329 = arith.constant 0 : i32
    %dma_wait3A_330 = tpu.memref_slice %arg4[%add3A_326, %dma_wait3A_329] : memref<4096x4096xf32, #tpu.memory_space<hbm>> -> memref<8x4096xf32, #tpu.memory_space<hbm>>
    tpu.wait_dma2 semaphore(%arg13 : memref<!tpu.dma_semaphore, #tpu.memory_space<semaphore_mem>>) src(%arg7 : memref<8x4096xf32, #tpu.memory_space<vmem>>) dst(%dma_wait3A_330 : memref<8x4096xf32, #tpu.memory_space<hbm>>)
    %dma_start3A_331 = arith.constant 120 : i32
    %dma_start3A_332 = tpu.memref_slice %arg6[%dma_start3A_331] : memref<144xi32, #tpu.memory_space<vmem>> -> memref<8xi32, #tpu.memory_space<vmem>>
    %dma_start3A_333 = arith.constant 0 : i32
    %dma_start3A_334 = arith.constant 0 : i32
    %dma_start3A_335 = tpu.memref_slice %arg2[%dma_start3A_333, %dma_start3A_334] : memref<8192x4096xf32, #tpu.memory_space<hbm>> -> memref<8192x4096xf32, #tpu.memory_space<hbm>>
    tpu.enqueue_indirect_dma source(%dma_start3A_335 : memref<8192x4096xf32, #tpu.memory_space<hbm>>) target(%arg7 : memref<8x4096xf32, #tpu.memory_space<vmem>>) offsets(%dma_start3A_332 : memref<8xi32, #tpu.memory_space<vmem>>) semaphore(%arg10 : memref<!tpu.dma_semaphore, #tpu.memory_space<semaphore_mem>>)
    %dma_wait3A_336 = arith.constant 104 : i32
    %dma_wait3A_337 = tpu.memref_slice %arg6[%dma_wait3A_336] : memref<144xi32, #tpu.memory_space<vmem>> -> memref<8xi32, #tpu.memory_space<vmem>>
    %dma_wait3A_338 = arith.constant 0 : i32
    %dma_wait3A_339 = arith.constant 0 : i32
    %dma_wait3A_340 = tpu.memref_slice %arg2[%dma_wait3A_338, %dma_wait3A_339] : memref<8192x4096xf32, #tpu.memory_space<hbm>> -> memref<8192x4096xf32, #tpu.memory_space<hbm>>
    tpu.wait_indirect_dma semaphore(%arg11 : memref<!tpu.dma_semaphore, #tpu.memory_space<semaphore_mem>>) src(%dma_wait3A_340 : memref<8192x4096xf32, #tpu.memory_space<hbm>>) dst(%arg8 : memref<8x4096xf32, #tpu.memory_space<vmem>>)
    %add3A_341 = arith.constant 104 : i32
    %add3A_342 = arith.addi %mul3A_2, %add3A_341 : i32
    %dma_start3A_343 = arith.constant 0 : i32
    %dma_start3A_344 = tpu.memref_slice %arg4[%add3A_342, %dma_start3A_343] : memref<4096x4096xf32, #tpu.memory_space<hbm>> -> memref<8x4096xf32, #tpu.memory_space<hbm>>
    %dma_start3A_345 = arith.constant 0 : i32
    %dma_start3A_346 = tpu.memref_slice %arg4[%add3A_342, %dma_start3A_345] : memref<4096x4096xf32, #tpu.memory_space<hbm>> -> memref<8x4096xf32, #tpu.memory_space<hbm>>
    tpu.enqueue_dma source(%arg8 : memref<8x4096xf32, #tpu.memory_space<vmem>>) target(%dma_start3A_346 : memref<8x4096xf32, #tpu.memory_space<hbm>>) target_semaphore(%arg14 : memref<!tpu.dma_semaphore, #tpu.memory_space<semaphore_mem>>)
    %dma_wait3A_347 = arith.constant 112 : i32
    %dma_wait3A_348 = tpu.memref_slice %arg6[%dma_wait3A_347] : memref<144xi32, #tpu.memory_space<vmem>> -> memref<8xi32, #tpu.memory_space<vmem>>
    %dma_wait3A_349 = arith.constant 0 : i32
    %dma_wait3A_350 = arith.constant 0 : i32
    %dma_wait3A_351 = tpu.memref_slice %arg2[%dma_wait3A_349, %dma_wait3A_350] : memref<8192x4096xf32, #tpu.memory_space<hbm>> -> memref<8192x4096xf32, #tpu.memory_space<hbm>>
    tpu.wait_indirect_dma semaphore(%arg12 : memref<!tpu.dma_semaphore, #tpu.memory_space<semaphore_mem>>) src(%dma_wait3A_351 : memref<8192x4096xf32, #tpu.memory_space<hbm>>) dst(%arg9 : memref<8x4096xf32, #tpu.memory_space<vmem>>)
    %add3A_352 = arith.constant 112 : i32
    %add3A_353 = arith.addi %mul3A_2, %add3A_352 : i32
    %dma_start3A_354 = arith.constant 0 : i32
    %dma_start3A_355 = tpu.memref_slice %arg4[%add3A_353, %dma_start3A_354] : memref<4096x4096xf32, #tpu.memory_space<hbm>> -> memref<8x4096xf32, #tpu.memory_space<hbm>>
    %dma_start3A_356 = arith.constant 0 : i32
    %dma_start3A_357 = tpu.memref_slice %arg4[%add3A_353, %dma_start3A_356] : memref<4096x4096xf32, #tpu.memory_space<hbm>> -> memref<8x4096xf32, #tpu.memory_space<hbm>>
    tpu.enqueue_dma source(%arg9 : memref<8x4096xf32, #tpu.memory_space<vmem>>) target(%dma_start3A_357 : memref<8x4096xf32, #tpu.memory_space<hbm>>) target_semaphore(%arg15 : memref<!tpu.dma_semaphore, #tpu.memory_space<semaphore_mem>>)
    %dma_wait3A_358 = arith.constant 120 : i32
    %dma_wait3A_359 = tpu.memref_slice %arg6[%dma_wait3A_358] : memref<144xi32, #tpu.memory_space<vmem>> -> memref<8xi32, #tpu.memory_space<vmem>>
    %dma_wait3A_360 = arith.constant 0 : i32
    %dma_wait3A_361 = arith.constant 0 : i32
    %dma_wait3A_362 = tpu.memref_slice %arg2[%dma_wait3A_360, %dma_wait3A_361] : memref<8192x4096xf32, #tpu.memory_space<hbm>> -> memref<8192x4096xf32, #tpu.memory_space<hbm>>
    tpu.wait_indirect_dma semaphore(%arg10 : memref<!tpu.dma_semaphore, #tpu.memory_space<semaphore_mem>>) src(%dma_wait3A_362 : memref<8192x4096xf32, #tpu.memory_space<hbm>>) dst(%arg7 : memref<8x4096xf32, #tpu.memory_space<vmem>>)
    %add3A_363 = arith.constant 120 : i32
    %add3A_364 = arith.addi %mul3A_2, %add3A_363 : i32
    %dma_start3A_365 = arith.constant 0 : i32
    %dma_start3A_366 = tpu.memref_slice %arg4[%add3A_364, %dma_start3A_365] : memref<4096x4096xf32, #tpu.memory_space<hbm>> -> memref<8x4096xf32, #tpu.memory_space<hbm>>
    %dma_start3A_367 = arith.constant 0 : i32
    %dma_start3A_368 = tpu.memref_slice %arg4[%add3A_364, %dma_start3A_367] : memref<4096x4096xf32, #tpu.memory_space<hbm>> -> memref<8x4096xf32, #tpu.memory_space<hbm>>
    tpu.enqueue_dma source(%arg7 : memref<8x4096xf32, #tpu.memory_space<vmem>>) target(%dma_start3A_368 : memref<8x4096xf32, #tpu.memory_space<hbm>>) target_semaphore(%arg13 : memref<!tpu.dma_semaphore, #tpu.memory_space<semaphore_mem>>)
    %add3A_369 = arith.constant 104 : i32
    %add3A_370 = arith.addi %mul3A_2, %add3A_369 : i32
    %dma_wait3A_371 = arith.constant 0 : i32
    %dma_wait3A_372 = tpu.memref_slice %arg4[%add3A_370, %dma_wait3A_371] : memref<4096x4096xf32, #tpu.memory_space<hbm>> -> memref<8x4096xf32, #tpu.memory_space<hbm>>
    %dma_wait3A_373 = arith.constant 0 : i32
    %dma_wait3A_374 = tpu.memref_slice %arg4[%add3A_370, %dma_wait3A_373] : memref<4096x4096xf32, #tpu.memory_space<hbm>> -> memref<8x4096xf32, #tpu.memory_space<hbm>>
    tpu.wait_dma2 semaphore(%arg14 : memref<!tpu.dma_semaphore, #tpu.memory_space<semaphore_mem>>) src(%arg8 : memref<8x4096xf32, #tpu.memory_space<vmem>>) dst(%dma_wait3A_374 : memref<8x4096xf32, #tpu.memory_space<hbm>>)
    %add3A_375 = arith.constant 112 : i32
    %add3A_376 = arith.addi %mul3A_2, %add3A_375 : i32
    %dma_wait3A_377 = arith.constant 0 : i32
    %dma_wait3A_378 = tpu.memref_slice %arg4[%add3A_376, %dma_wait3A_377] : memref<4096x4096xf32, #tpu.memory_space<hbm>> -> memref<8x4096xf32, #tpu.memory_space<hbm>>
    %dma_wait3A_379 = arith.constant 0 : i32
    %dma_wait3A_380 = tpu.memref_slice %arg4[%add3A_376, %dma_wait3A_379] : memref<4096x4096xf32, #tpu.memory_space<hbm>> -> memref<8x4096xf32, #tpu.memory_space<hbm>>
    tpu.wait_dma2 semaphore(%arg15 : memref<!tpu.dma_semaphore, #tpu.memory_space<semaphore_mem>>) src(%arg9 : memref<8x4096xf32, #tpu.memory_space<vmem>>) dst(%dma_wait3A_380 : memref<8x4096xf32, #tpu.memory_space<hbm>>)
    %add3A_381 = arith.constant 120 : i32
    %add3A_382 = arith.addi %mul3A_2, %add3A_381 : i32
    %dma_wait3A_383 = arith.constant 0 : i32
    %dma_wait3A_384 = tpu.memref_slice %arg4[%add3A_382, %dma_wait3A_383] : memref<4096x4096xf32, #tpu.memory_space<hbm>> -> memref<8x4096xf32, #tpu.memory_space<hbm>>
    %dma_wait3A_385 = arith.constant 0 : i32
    %dma_wait3A_386 = tpu.memref_slice %arg4[%add3A_382, %dma_wait3A_385] : memref<4096x4096xf32, #tpu.memory_space<hbm>> -> memref<8x4096xf32, #tpu.memory_space<hbm>>
    tpu.wait_dma2 semaphore(%arg13 : memref<!tpu.dma_semaphore, #tpu.memory_space<semaphore_mem>>) src(%arg7 : memref<8x4096xf32, #tpu.memory_space<vmem>>) dst(%dma_wait3A_386 : memref<8x4096xf32, #tpu.memory_space<hbm>>)
    return
  }
}

</mosaic_0001>

<sc_bundles>
// kernel: kernel.3.cloned.1.call-start
scs
__scs_entry_jumppad:
0x0: {  	(pc) =	sbr.rel $0x88, $3  }
0x1: {  	(tag) =	ssettag $0x0;
	lr =	simm.s32 $0x1  }
0x2: {  	[smem:$0x3F9F] =	sst lr;
	_ =	strace $0xD0000000  }
0x3: {  	_ = 	snop  }
0x4: {  	_ = 	snop  }
0x5: {  	_ = 	snop  }
0x6: {  	_ = 	snop  }
0x7: {  	_ = 	snop  }
__scs_overlays_trampoline_lowered:
0x8: {  	[smem:$0x3FAE] =	sst s0  }
0x9: {  	[smem:$0x3FAF] =	sst s1  }
0xa: {  	[smem:$0x3FB0] =	sst s2  }
0xb: {  	[smem:$0x3FB1] =	sst s3  }
0xc: {  	[smem:$0x3FB2] =	sst s4  }
0xd: {  	[smem:$0x3FB3] =	sst s5  }
0xe: {  	[smem:$0x3FB4] =	sst s6  }
0xf: {  	[smem:$0x3FB5] =	sst s7  }
0x10: {  	[smem:$0x3FB6] =	sst s8  }
0x11: {  	[smem:$0x3FB7] =	sst s9;
	s0 =	simm.s32 @!p0 $0x0  }
0x12: {  	s1 =	sld [smem:$0x3F9D];
	s0 =	simm.s32 @p0 $0x1  }
0x13: {  	[smem:$0x3FB8] =	sst s0;
	s0 =	simm.s32 @!p1 $0x0  }
0x14: {  	s2 =	sld [smem:$0x3F9C];
	s0 =	simm.s32 @p1 $0x1  }
0x15: {  	[smem:$0x3FB9] =	sst s0;
	s0 =	simm.s32 @!p2 $0x0  }
0x16: {  	s3 =	sld [smem:$0x3FDB];
	s0 =	simm.s32 @p2 $0x1  }
0x17: {  	s4 =	simm.s32 $0x1BF5;
	[smem:$0x3FBB] =	sst s0  }
0x18: {  	s0 =	sld [smem:$0x3F9E];
	_ =	swait.ge [sflag:s4], $0x0  }
0x19: {  	s7 =	sld [smem:$0x3F9F]  }
0x1a: {  	s8 =	sadd.s32 $0xFFFFE003, lr  }
0x1b: {  	s9 =	sadd.s32 $0xFFFFFEF7, lr;
	s5 =	simm.s32 $0xFFFFFFFF;
	p2 =	slt.u32 s8, $0xFFFFF086  }
0x1c: {  	p1 =	slt.u32 s9, $0xF7A;
	s5 =	simm.s32 @!p2 $0x0  }
0x1d: {  	s5 =	simm.s32 @p1 $0x1;
	p0 =	seq.s32 s7, s2  }
0x1e: {  	s7 =	smul.u32 @!p0 $0xF7A, s2;
	p2 =	seq.s32 @!p0 s5, $0x0  }
0x1f: {  	s9 =	smul.u32 $0xF7A, s1;
	s8 =	simm.s32 @!p0 $0x1BF5;
	p2 =	por !p2, p0  }
0x20: {  	[sflag:s8] =	ssyncset.s32 @!p0 $0xFFFFF086;
	s6 =	sadd.s32 @!p0 s3, s7;
	s7 =	simm.s32 @!p0 $0x108  }
0x21: {  	s3 =	sadd.s32 s3, s9;
	s6 =	sadd.s32 @!p0 $0x88, s6;
	s7 =	simm.s32 @p2 $0x1082  }
0x22: {  	[simem:s7], [sflag:s8] =	dma.local @!p0 [hbm:s6], $0xF7A  }
0x23: {  	s9 =	sor.u32 $0xD0000000, s2;
	s6 =	simm.s32 $0x108;
	_ =	swait.ge @!p0 [sflag:s8], $0x0  }
0x24: {  	s3 =	sadd.s32 $0x88, s3;
	s6 =	simm.s32 @!p1 $0x1082;
	[sflag:s4] =	ssyncset.s32 $0xFFFFF086  }
0x25: {  	[simem:s6], [sflag:s4] =	dma.local [hbm:s3], $0xF7A  }
0x26: {  	[smem:$0x3F9F] =	sst s1;
	(tag) =	ssettag s2;
	_ =	strace s9  }
0x27: {  	s1 =	sld [smem:$0x3FAF]  }
0x28: {  	s2 =	sld [smem:$0x3FB0]  }
0x29: {  	s4 =	sld [smem:$0x3FB2]  }
0x2a: {  	p0 =	seq.s32 s5, $0x0;
	s5 =	sld [smem:$0x3FB3]  }
0x2b: {  	s6 =	sld [smem:$0x3FB4]  }
0x2c: {  	s7 =	sld [smem:$0x3FB5]  }
0x2d: {  	s3 =	simm.s32 $0x108;
	s8 =	sld [smem:$0x3FB6]  }
0x2e: {  	s3 =	simm.s32 @!p0 $0x1082;
	s9 =	sld [smem:$0x3FB7]  }
0x2f: {  	lr =	sadd.s32 s0, s3;
	s0 =	sld [smem:$0x3FAE]  }
0x30: {  	s3 =	sld [smem:$0x3FB1]  }
0x31: {  	[smem:$0x3FBA] =	sst s10  }
0x32: {  	s10 =	sld [smem:$0x3FB8];
	_ =	sdelay $0x3  }
0x33: {  	p0 =	seq.s32 s10, $0x1;
	s10 =	sld [smem:$0x3FBA];
	_ =	sdelay $0x3  }
0x34: {  	[smem:$0x3FBA] =	sst s10  }
0x35: {  	s10 =	sld [smem:$0x3FB9];
	_ =	sdelay $0x3  }
0x36: {  	p1 =	seq.s32 s10, $0x1;
	s10 =	sld [smem:$0x3FBA];
	_ =	sdelay $0x3  }
0x37: {  	[smem:$0x3FBA] =	sst s10  }
0x38: {  	s10 =	sld [smem:$0x3FBB]  }
0x39: {  	_ = 	snop;
	(pc) =	sbr.ind lr, $3  }
0x3a: {  	_ = 	snop  }
0x3b: {  	_ = 	snop  }
0x3c: {  	p2 =	seq.s32 s10, $0x1;
	s10 =	sld [smem:$0x3FBA]  }
0x3d: {  	_ =	shalt  }
0x3e: {  	_ =	shalt  }
0x3f: {  	_ =	shalt  }
0x40: {  	_ =	shalt  }
0x41: {  	_ =	shalt  }
0x42: {  	_ =	shalt  }
0x43: {  	_ =	shalt  }
0x44: {  	_ =	shalt  }
0x45: {  	_ =	shalt  }
0x46: {  	_ =	shalt  }
0x47: {  	_ =	shalt  }
0x48: {  	_ =	shalt  }
0x49: {  	_ =	shalt  }
0x4a: {  	_ =	shalt  }
0x4b: {  	_ =	shalt  }
0x4c: {  	_ =	shalt  }
0x4d: {  	_ =	shalt  }
0x4e: {  	_ =	shalt  }
0x4f: {  	_ =	shalt  }
0x50: {  	_ =	shalt  }
0x51: {  	_ =	shalt  }
0x52: {  	_ =	shalt  }
0x53: {  	_ =	shalt  }
0x54: {  	_ =	shalt  }
0x55: {  	_ =	shalt  }
0x56: {  	_ =	shalt  }
0x57: {  	_ =	shalt  }
0x58: {  	_ =	shalt  }
0x59: {  	_ =	shalt  }
0x5a: {  	_ =	shalt  }
0x5b: {  	_ =	shalt  }
0x5c: {  	_ =	shalt  }
0x5d: {  	_ =	shalt  }
0x5e: {  	_ =	shalt  }
0x5f: {  	_ =	shalt  }
0x60: {  	_ =	shalt  }
0x61: {  	_ =	shalt  }
0x62: {  	_ =	shalt  }
0x63: {  	_ =	shalt  }
0x64: {  	_ =	shalt  }
0x65: {  	_ =	shalt  }
0x66: {  	_ =	shalt  }
0x67: {  	_ =	shalt  }
0x68: {  	_ =	shalt  }
0x69: {  	_ =	shalt  }
0x6a: {  	_ =	shalt  }
0x6b: {  	_ =	shalt  }
0x6c: {  	_ =	shalt  }
0x6d: {  	_ =	shalt  }
0x6e: {  	_ =	shalt  }
0x6f: {  	_ =	shalt  }
0x70: {  	_ =	shalt  }
0x71: {  	_ =	shalt  }
0x72: {  	_ =	shalt  }
0x73: {  	_ =	shalt  }
0x74: {  	_ =	shalt  }
0x75: {  	_ =	shalt  }
0x76: {  	_ =	shalt  }
0x77: {  	_ =	shalt  }
0x78: {  	_ =	shalt  }
0x79: {  	_ =	shalt  }
0x7a: {  	_ =	shalt  }
0x7b: {  	_ =	shalt  }
0x7c: {  	_ =	shalt  }
0x7d: {  	_ =	shalt  }
0x7e: {  	_ =	shalt  }
0x7f: {  	_ =	shalt  }
0x80: {  	_ =	shalt  }
0x81: {  	_ =	shalt  }
0x82: {  	_ =	shalt  }
0x83: {  	_ =	shalt  }
0x84: {  	_ =	shalt  }
0x85: {  	_ =	shalt  }
0x86: {  	_ =	shalt  }
0x87: {  	_ =	shalt  }
.Lfunc_end0:
.L_simem_size_0:
called_computation_lowered:
.L_overlay_start_0:
0x88: {  	s2 =	sld [smem:$0x3FD9]  }
0x89: {  	s3 =	sld [smem:$0x3FFE];
	_ =	sdelay $0x1  }
0x8a: {  	s1 =	srdreg.scid  }
0x8b: {  	s0 =	sand.u32 $0x1, s1  }
0x8c: {  	s17 =	sshll.u32 s0, $0xA;
	s2 =	sadd.s32 s3, s2  }
0x8d: {  	s2 =	sadd.s32 s2, s17  }
0x8e: {  	[smem:$0x3FC6] =	sst s2  }
0x8f: {  	_ = 	snop  }
0x90: {  	s2 =	sld [smem:$0x3FC9]  }
0x91: {  	s18 =	sld [smem:$0x3FD0];
	(tm) =	ssettm $0x1  }
0x92: {  	s4 =	sld [smem:$0x3FFB];
	_ =	sdelay $0x3  }
0x93: {  	_ =	strace s4  }
0x94: {  	s4 =	sld [smem:$0x3FFC];
	_ =	sdelay $0x3  }
0x95: {  	_ =	strace s4  }
0x96: {  	s4 =	sld [smem:$0x3FFD];
	_ =	sdelay $0x3  }
0x97: {  	_ =	strace s4  }
0x98: {  	_ =	strace $0x8FFFFFFF  }
0x99: {  	s19 =	sld [smem:$0x3FDB];
	_ =	sdelay $0x1  }
0x9a: {  	s5 =	simm.s32 $_scs_section_size  }
0x9b: {  	s6 =	simm.s32 $_size__tile_overlayer_lowered;
	s7 =	simm.s32 $_tile_overlayer_lowered  }
0x9c: {  	s22 =	simm.s32 $0x1BFF;
	s21 =	sshll.u32 s7, $0x1;
	s4 =	sadd.s32 s5, s19  }
0x9d: {  	s8 =	simm.s32 $0x0;
	s20 =	sshll.u32 s6, $0x1;
	s6 =	sadd.s32 s21, s4  }
0x9e: {  	[timem:s8], [sflag:s22] =	dma.local [hbm:s6], s20  }
0x9f: {  	_ =	swait.ge [sflag:s22], s20  }
0xa0: {  	s5 =	ssub.s32 $0x0, s20;
	[sflag:s22] =	ssyncset.done $0x0  }
0xa1: {  	[sflag:s22] =	ssyncadd.s32 s5;
	_ =	sdelay $0x1  }
0xa2: {  	s23 =	simm.s32 $0x1B8B  }
0xa3: {  	_ =	swait.ge [sflag:s23], $0x1  }
0xa4: {  	[sflag:s23] =	ssyncset.done $0x0  }
0xa5: {  	s25 =	simm.s32 $0x1B8E;
	s24 =	sld [smem:$0x3FFE];
	[sflag:s23] =	ssyncadd.s32 $0xFFFFFFFF  }
0xa6: {  	s26 =	simm.s32 $execute0_lowered;
	[smem:$0x3FD2] =	sst s25  }
0xa7: {  	s6 =	sshll.u32 s26, $0x1;
	_ =	strace $0x80000046;
	[dreg:$0x1] =	wrdreg $0xFFFFFFFF  }
0xa8: {  	s28 =	simm.s32 $_size_execute0_lowered;
	s4 =	sadd.s32 s4, s6;
	[dreg:$0x0] =	wrdreg $0x0  }
0xa9: {  	s6 =	sshll.u32 s28, $0x1;
	[dreg:$0x2] =	wrdreg s4  }
0xaa: {  	[dreg:$0x3] =	wrdreg s6  }
0xab: {  	[dreg:$0x4] =	wrdreg $0xC0  }
0xac: {  	_ =	task [dreg:s8], $0x5FFFF  }
0xad: {  	[dreg:$0x1] =	wrdreg $0xFFFFFFFF  }
0xae: {  	[dreg:$0x0] =	wrdreg $0x60  }
0xaf: {  	[dreg:$0x2] =	wrdreg s2  }
0xb0: {  	[dreg:$0x3] =	wrdreg s24  }
0xb1: {  	[dreg:$0x4] =	wrdreg s18  }
0xb2: {  	[dreg:$0x5] =	wrdreg $0x9  }
0xb3: {  	_ =	task.clear_ibuf [dreg:s8], $0x6FFFF;
	_ =	strace $0x90000046  }
0xb4: {  	s29 =	simm.s32 $0x9;
	_ =	strace $0x80000048  }
0xb5: {  	_ =	swait.ge [sflag:s29], $0x1  }
0xb6: {  	[sflag:s29] =	ssyncadd.s32 $0xFFFFFFFF  }
0xb7: {  	_ =	strace $0x90000048  }
0xb8: {  	_ =	sfence  }
0xb9: {  	s30 =	sld [smem:$0x0];
	_ =	sdelay $0x2  }
0xba: {  	s31 =	sshll.u32 s1, $0xD;
	s1 =	sshrl.u32 s1, $0x2  }
0xbb: {  	s3 =	sand.u32 $0x4000, s31;
	s1 =	sadd.s32 s1, s30  }
0xbc: {  	s0 =	sor.u32 s3, s0;
	s1 =	sshll.u32 s1, $0x11  }
0xbd: {  	s0 =	sor.u32 s1, s0  }
0xbe: {  	s0 =	sadd.s32 $0x8F2B, s0  }
0xbf: {  	[sflag:s0] =	ssyncadd.remote.s32 $0x1  }
0xc0: {  	_ =	sfence.sel $0xFFFF  }
0xc1: {  	[dreg:$0x0] =	wrdreg $0xFFFFFFFF;
	(pc) =	sbr.abs _section_cstart, $3  }
0xc2: {  	[dreg:$0x1] =	wrdreg $0xFFFFFFFF  }
0xc3: {  	_ =	task.clear_ibuf [dreg:s8], $0x2FFFF;
	_ =	strace $0x9FFFFFFF  }
0xc4: {  	(tm) =	ssettm $0x7FFFFFFF  }
0xc5: {  	_ =	shalt  }
tec
execute0_lowered:
.L_overlay_start_1:
0x0: {  	(tag) =	ssettag $0x1  }
0x1: {  	s21 =	rddreg [dreg:$0x0]  }
0x2: {  	s0 =	rddreg [dreg:$0x1]  }
0x3: {  	s1 =	rddreg [dreg:$0x2];
	s2 =	simm.s32 $0x0  }
0x4: {  	[smem:$0x7FF] =	sst s2;
	s0 =	sadd.s32 $0x400, s0  }
0x5: {  	s26 =	sadd.s32 $0x100, s21;
	_ =	strace $0x80000047;
	[dreg:$0x4] =	wrdreg s0  }
0x6: {  	s28 =	sadd.s32 $0x200, s21;
	[dreg:$0x16] =	wrdreg s26  }
0x7: {  	s29 =	sadd.s32 $0x300, s21;
	[dreg:$0x17] =	wrdreg s28  }
0x8: {  	s30 =	sadd.s32 $0x400, s21;
	[dreg:$0x18] =	wrdreg s29  }
0x9: {  	s31 =	sadd.s32 $0x500, s21;
	[dreg:$0x19] =	wrdreg s30  }
0xa: {  	s7 =	sadd.s32 $0x700, s21;
	[dreg:$0x1a] =	wrdreg s31  }
0xb: {  	s8 =	sadd.s32 $0x800, s21;
	[dreg:$0x1c] =	wrdreg s7  }
0xc: {  	s9 =	sadd.s32 $0x900, s21;
	[dreg:$0x1d] =	wrdreg s8  }
0xd: {  	s10 =	sadd.s32 $0xA00, s21;
	[dreg:$0x1e] =	wrdreg s9  }
0xe: {  	s3 =	srdreg.scid;
	s11 =	sadd.s32 $0xB00, s21;
	[dreg:$0x1f] =	wrdreg s10  }
0xf: {  	s6 =	stileid.u32;
	s12 =	sadd.s32 $0xC00, s21;
	[smem:$0x7F9] =	sst s11  }
0x10: {  	s3 =	sand.u32 $0x1, s3;
	s13 =	sadd.s32 $0xD00, s21;
	[smem:$0x7FA] =	sst s12  }
0x11: {  	s6 =	sshll.u32 s6, $0x7;
	s15 =	sadd.s32 $0xE00, s21;
	[smem:$0x7FB] =	sst s13  }
0x12: {  	s16 =	sadd.s32 $0xF00, s21;
	s4 =	ssub.s32 $0x2, s3;
	[smem:$0x7FC] =	sst s15  }
0x13: {  	s3 =	sshll.u32 s3, $0xB;
	[smem:$0x7FD] =	sst s16;
	s5 =	sshrl.u32 s4, $0x1  }
0x14: {  	s25 =	ssub.s32 s4, s5;
	s5 =	sor.u32 s6, s3;
	s4 =	sadd.s32 $0x600, s21  }
0x15: {  	[dreg:$0x1b] =	wrdreg s4;
	s14 =	sshll.u32 s5, $0x9;
	s0 =	smax.u32 s25, $0x1  }
0x16: {  	s1 =	sadd.s32 s1, s14;
	[dreg:$0x8] =	wrdreg s0  }
0x17: {  	s3 =	sadd.s32 $0x1000, s1;
	[dreg:$0x5] =	wrdreg s1  }
0x18: {  	s17 =	sadd.s32 $0x2000, s1;
	[dreg:$0x6] =	wrdreg s3  }
0x19: {  	s18 =	sadd.s32 $0x3000, s1;
	[dreg:$0x7] =	wrdreg s17  }
0x1a: {  	s19 =	sadd.s32 $0x4000, s1;
	[dreg:$0x9] =	wrdreg s18  }
0x1b: {  	s20 =	sadd.s32 $0x5000, s1;
	[dreg:$0xa] =	wrdreg s19  }
0x1c: {  	s21 =	sadd.s32 $0x6000, s1;
	[dreg:$0xb] =	wrdreg s20  }
0x1d: {  	s22 =	sadd.s32 $0x7000, s1;
	[dreg:$0xc] =	wrdreg s21  }
0x1e: {  	s23 =	sadd.s32 $0x8000, s1;
	[dreg:$0xd] =	wrdreg s22  }
0x1f: {  	s24 =	sadd.s32 $0x9000, s1;
	[dreg:$0xe] =	wrdreg s23  }
0x20: {  	s25 =	sadd.s32 $0xA000, s1;
	[dreg:$0xf] =	wrdreg s24  }
0x21: {  	s26 =	sadd.s32 $0xB000, s1;
	[dreg:$0x10] =	wrdreg s25  }
0x22: {  	s28 =	sadd.s32 $0xC000, s1;
	[dreg:$0x11] =	wrdreg s26  }
0x23: {  	s29 =	sadd.s32 $0xD000, s1;
	[dreg:$0x12] =	wrdreg s28  }
0x24: {  	v1 =	vlaneseq.u32;
	v3 =	vimm.s32 $0x0;
	s7 =	simm.s32 $0x4;
	s30 =	sadd.s32 $0xE000, s1;
	[dreg:$0x13] =	wrdreg s29  }
0x25: {  	vm0 =	vmmov $0xffff;
	v5 =	vshrl.u32 v1, $0x3;
	v4 =	vand.u32 $0x7, v1;
	s6 =	sadd.s32 $0x80, s5;
	s31 =	sadd.s32 $0xF000, s1;
	[dreg:$0x14] =	wrdreg s30  }
0x26: {  	v5 =	vmul.u32 $0x8, v5;
	v0 =	vmov s5;
	v2 =	vmov s6;
	s1 =	simm.s32 $0x0;
	[dreg:$0x15] =	wrdreg s31;
	s26 =	simm.s32 $0x1  }
.LBB2_1:
0x27: {  	[smem:$0x7F8] =	sst s1  }
0x28: {  	s0 =	rddreg [dreg:$0x4];
	s25 =	simm.s32 $0x7  }
0x29: {  	[tilespmem:s2], [sflag:$0x7] =	stream.linear.gather [hbm4b:s0+s2], $0x2000, $0x38;
	[tilespmem:$0x1A100] =	vst v63  }
0x2a: {  	_ =	swait.ge [sflag:s25], $0x2000  }
0x2b: {  	[sflag:s25] =	ssyncset.done $0x0  }
0x2c: {  	[sflag:s25] =	ssyncadd.s32 $0xFFFFE000  }
0x2d: {  	[tilespmem:$0x2000] =	vst v3  }
0x2e: {  	[tilespmem:$0x2010] =	vst v3  }
0x2f: {  	[tilespmem:$0x2020] =	vst v3  }
0x30: {  	[tilespmem:$0x2030] =	vst v3  }
0x31: {  	[tilespmem:$0x2040] =	vst v3  }
0x32: {  	[tilespmem:$0x2050] =	vst v3  }
0x33: {  	[tilespmem:$0x2060] =	vst v3  }
0x34: {  	[tilespmem:$0x2070] =	vst v3  }
0x35: {  	s29 =	simm.s32 $0x80;
	[tilespmem:$0x2080] =	vst v3  }
0x36: {  	v6 =	vld [tilespmem:s29+$0xFFFFFF80]  }
0x37: {  	v7 =	vld [tilespmem:s29+$0xFFFFFF90]  }
0x38: {  	v8 =	vld [tilespmem:s29+$0xFFFFFFA0]  }
0x39: {  	v9 =	vld [tilespmem:s29+$0xFFFFFFB0]  }
0x3a: {  	v10 =	vld [tilespmem:s29+$0xFFFFFFC0]  }
0x3b: {  	v11 =	vld [tilespmem:s29+$0xFFFFFFD0]  }
0x3c: {  	v12 =	vld [tilespmem:s29+$0xFFFFFFE0]  }
0x3d: {  	v13 =	vld [tilespmem:s29+$0xFFFFFFF0]  }
0x3e: {  	v14 =	vld [tilespmem:s29+$0x0];
	v6 =	vadd.s32 v6, v7  }
0x3f: {  	v15 =	vld [tilespmem:s29+$0x10];
	v6 =	vadd.s32 v8, v6  }
0x40: {  	s31 =	simm.s32 $0x180;
	v16 =	vld [tilespmem:s29+$0x20];
	v6 =	vadd.s32 v9, v6  }
0x41: {  	v56 =	vld [tilespmem:s31+$0xFFFFFF80];
	v6 =	vadd.s32 v10, v6  }
0x42: {  	v57 =	vld [tilespmem:s31+$0xFFFFFF90];
	v6 =	vadd.s32 v11, v6  }
0x43: {  	v7 =	vld [tilespmem:s29+$0x30];
	v6 =	vadd.s32 v12, v6  }
0x44: {  	v8 =	vld [tilespmem:s29+$0x40];
	v6 =	vadd.s32 v13, v6  }
0x45: {  	v9 =	vld [tilespmem:s29+$0x50];
	v6 =	vadd.s32 v14, v6  }
0x46: {  	v10 =	vld [tilespmem:s29+$0x60];
	v6 =	vadd.s32 v15, v6  }
0x47: {  	v11 =	vld [tilespmem:s29+$0x70];
	v6 =	vadd.s32 v16, v6  }
0x48: {  	v58 =	vld [tilespmem:s31+$0xFFFFFFA0];
	v6 =	vadd.s32 v7, v6  }
0x49: {  	v59 =	vld [tilespmem:s31+$0xFFFFFFB0];
	v6 =	vadd.s32 v8, v6  }
0x4a: {  	v60 =	vld [tilespmem:s31+$0xFFFFFFC0];
	v6 =	vadd.s32 v9, v6  }
0x4b: {  	v7 =	vld [tilespmem:s31+$0xFFFFFFD0];
	v6 =	vadd.s32 v10, v6  }
0x4c: {  	v61 =	vld [tilespmem:s31+$0xFFFFFFE0];
	v8 =	vadd.s32 v56, v57;
	v6 =	vadd.s32 v11, v6  }
0x4d: {  	v8 =	vadd.s32 v58, v8;
	v9 =	vld [tilespmem:s31+$0xFFFFFFF0];
	(xrf0) =	vadd.scan.msk.s32 $0xffff, v6  }
0x4e: {  	v8 =	vadd.s32 v59, v8;
	v10 =	vld [tilespmem:s31+$0x0]  }
0x4f: {  	v8 =	vadd.s32 v60, v8  }
0x50: {  	v6 =	vadd.s32 v7, v8  }
0x51: {  	v11 =	vld [tilespmem:s31+$0x10];
	v6 =	vadd.s32 v61, v6  }
0x52: {  	v8 =	vld [tilespmem:s31+$0x20];
	v6 =	vadd.s32 v9, v6  }
0x53: {  	v62 =	vld [tilespmem:s31+$0x30];
	v7 =	vadd.s32 v10, v6;
	v10, _, _ =	vpop (xrf0)  }
0x54: {  	v63 =	vld [tilespmem:s31+$0x40];
	(v2sf) =	vpush v10, $0xF  }
0x55: {  	v6 =	vld [tilespmem:s31+$0x50]  }
0x56: {  	v9 =	vadd.s32 v11, v7;
	v7 =	vld [tilespmem:s31+$0x60]  }
0x57: {  	s30 =	simm.s32 $0x10;
	s23 =	simm.s32 $0x20;
	s28 =	simm.s32 $0x280;
	v9 =	vadd.s32 v8, v9;
	v8 =	vld [tilespmem:s31+$0x70]  }
0x58: {  	s22 =	simm.s32 $0x30;
	s1 =	simm.s32 $0x0;
	s24 =	simm.s32 $0x0;
	v11 =	vld [tilespmem:s28+$0xFFFFFF90];
	v12 =	vadd.s32 v62, v9  }
0x59: {  	s4 =	simm.s32 $0x0;
	s3 =	simm.s32 $0x0;
	s0 =	simm.s32 $0x0;
	v9 =	vld [tilespmem:s28+$0xFFFFFF80];
	v10 =	vadd.s32 v63, v12  }
.LBB2_2:
0x5a: {  	p0 =	sne.s32 s22, $0x1F0;
	v12 =	vld [tilespmem:s28+$0xFFFFFFA0];
	v6 =	vadd.s32 v6, v10;
	s29 =	smov.u32 s23;
	s23 =	smov.u32 s22  }
0x5b: {  	v10 =	vld [tilespmem:s28+$0xFFFFFFB0];
	v6 =	vadd.s32 v7, v6  }
0x5c: {  	v7 =	vld [tilespmem:s28+$0xFFFFFFC0];
	v6 =	vadd.s32 v8, v6  }
0x5d: {  	v8 =	vld [tilespmem:s28+$0xFFFFFFD0];
	(xrf0) =	vadd.scan.msk.s32 $0xffff, v6  }
0x5e: {  	v6 =	vadd.s32 v9, v11;
	v9 =	vld [tilespmem:s28+$0xFFFFFFE0]  }
0x5f: {  	v6 =	vadd.s32 v12, v6;
	v11 =	vld [tilespmem:s28+$0xFFFFFFF0]  }
0x60: {  	v6 =	vadd.s32 v10, v6;
	v10 =	vld [tilespmem:s28+$0x0]  }
0x61: {  	v6 =	vadd.s32 v7, v6;
	v7 =	vld [tilespmem:s28+$0x10]  }
0x62: {  	v6 =	vadd.s32 v8, v6;
	v8 =	vld [tilespmem:s28+$0x20]  }
0x63: {  	v6 =	vadd.s32 v9, v6;
	v12 =	vld [tilespmem:s28+$0x30];
	v9, _, _ =	vpop (xrf0);
	s31 =	spop (v2sf)  }
0x64: {  	v6 =	vadd.s32 v11, v6;
	v13 =	vld [tilespmem:s28+$0x40];
	(v2sf) =	vpush v9, $0xF;
	s1 =	sadd.s32 s1, s31  }
.Ltmp0:
0x65: {  	p1 =	sle.s32 s24, s5;
	v9 =	vadd.s32 v10, v6;
	v6 =	vld [tilespmem:s28+$0x50];
	p2 =	sgt.s32 s1, s5;
	(pc) =	sbr.rel @p0 .LBB2_2-.Ltmp0, $4  }
0x66: {  	v9 =	vadd.s32 v7, v9;
	v7 =	vld [tilespmem:s28+$0x60];
	p1 =	por !p1, !p2  }
0x67: {  	v10 =	vadd.s32 v8, v9;
	v8 =	vld [tilespmem:s28+$0x70];
	s28 =	sadd.s32 $0x100, s28;
	p1 =	por !p1, !p1  }
0x68: {  	v9 =	vld [tilespmem:s28+$0xFFFFFF80];
	v10 =	vadd.s32 v12, v10;
	s4 =	smov.u32 @p1 s0;
	s3 =	smov.u32 @p1 s24;
	s24 =	smov.u32 s1  }
0x69: {  	s22 =	sadd.s32 $0x10, s22;
	s0 =	smov.u32 s30;
	s30 =	smov.u32 s29;
	v11 =	vld [tilespmem:s28+$0xFFFFFF90];
	v10 =	vadd.s32 v13, v10  }
0x6a: {  	v12 =	vld [tilespmem:s28+$0xFFFFFFA0]  }
0x6b: {  	v13 =	vld [tilespmem:s28+$0xFFFFFFB0]  }
0x6c: {  	v14 =	vld [tilespmem:s28+$0xFFFFFFC0]  }
0x6d: {  	v15 =	vld [tilespmem:s28+$0xFFFFFFD0]  }
0x6e: {  	v54 =	vld [tilespmem:s28+$0xFFFFFFE0];
	v9 =	vadd.s32 v9, v11  }
0x6f: {  	v55 =	vld [tilespmem:s28+$0xFFFFFFF0];
	v9 =	vadd.s32 v12, v9  }
0x70: {  	v56 =	vld [tilespmem:s28+$0x0];
	v9 =	vadd.s32 v13, v9  }
0x71: {  	v57 =	vld [tilespmem:s28+$0x10];
	v9 =	vadd.s32 v14, v9  }
0x72: {  	v58 =	vld [tilespmem:s28+$0x20];
	v9 =	vadd.s32 v15, v9  }
0x73: {  	v59 =	vld [tilespmem:s28+$0x30];
	v9 =	vadd.s32 v54, v9  }
0x74: {  	v60 =	vld [tilespmem:s28+$0x40];
	v9 =	vadd.s32 v55, v9  }
0x75: {  	v61 =	vld [tilespmem:s28+$0x50];
	v9 =	vadd.s32 v56, v9  }
0x76: {  	v62 =	vld [tilespmem:s28+$0x60];
	v9 =	vadd.s32 v57, v9  }
0x77: {  	v63 =	vld [tilespmem:s28+$0x70];
	v9 =	vadd.s32 v58, v9  }
0x78: {  	v9 =	vadd.s32 v59, v9  }
0x79: {  	v6 =	vadd.s32 v6, v10;
	v9 =	vadd.s32 v60, v9  }
0x7a: {  	v6 =	vadd.s32 v7, v6;
	v7 =	vadd.s32 v61, v9  }
0x7b: {  	v6 =	vadd.s32 v8, v6;
	v7 =	vadd.s32 v62, v7  }
0x7c: {  	(xrf0) =	vadd.scan.msk.s32 $0xffff, v6;
	v6 =	vadd.s32 v63, v7  }
0x7d: {  	(xrf0) =	vadd.scan.msk.s32 $0xffff, v6;
	_ =	sdelay $0x4  }
0x7e: {  	v6, _, _ =	vpop (xrf0)  }
0x7f: {  	(v2sf) =	vpush v6, $0xF;
	v6, _, _ =	vpop (xrf0)  }
0x80: {  	(v2sf) =	vpush v6, $0xF;
	_ =	sdelay $0xb  }
0x81: {  	s22 =	spop (v2sf)  }
0x82: {  	p0 =	sle.s32 s24, s5;
	s1 =	sadd.s32 s1, s22  }
0x83: {  	p1 =	sgt.s32 s1, s5;
	p5 =	sle.s32 s1, s5;
	s28 =	spop (v2sf)  }
0x84: {  	p0 =	por !p0, !p1;
	s22 =	sadd.s32 s1, s28;
	s29 =	spop (v2sf)  }
0x85: {  	p0 =	por !p0, !p0;
	p2 =	sgt.s32 s22, s5;
	s28 =	sadd.s32 s22, s29  }
0x86: {  	p6 =	sle.s32 s22, s5;
	p1 =	por !p5, !p2;
	p3 =	sgt.s32 s28, s5  }
0x87: {  	s4 =	smov.u32 @p0 s0;
	p1 =	por !p1, !p1;
	p2 =	por !p6, !p3  }
0x88: {  	s4 =	smov.u32 @p1 s30;
	p2 =	por !p2, !p2  }
0x89: {  	s4 =	smov.u32 @p2 s23  }
0x8a: {  	s0 =	sadd.s32 $0x0, s4  }
0x8b: {  	p3 =	slt.s32 s0, $0x1FF  }
0x8c: {  	s0 =	simm.s32 @!p3 $0x1FF  }
0x8d: {  	s0 =	sshll.u32 s0, $0x4  }
0x8e: {  	v6 =	vld [tilespmem:s0+$0x0];
	_ =	sdelay $0x4  }
0x8f: {  	vm1 =	vgt.s32 v6, $0x0;
	(xrf0) =	vadd.scan.msk.s32 $0xffff, v6  }
0x90: {  	v6 =	vmpcnt.ones.xlane vm1  }
0x91: {  	s3 =	smov.u32 @p0 s24  }
0x92: {  	s3 =	smov.u32 @p1 s1;
	(v2sf) =	vpush v6, $0x0  }
0x93: {  	s3 =	smov.u32 @p2 s22  }
0x94: {  	p0 =	sgt.s32 s5, s3;
	s1 =	smov.u32 s3  }
0x95: {  	s1 =	smov.u32 @p0 s5;
	v6, _, _ =	vpop (xrf0)  }
0x96: {  	s1 =	smin.u32 s6, s1;
	v6 =	vadd.s32 s3, v6  }
0x97: {  	s23 =	sadd.s32 $0x1, s4;
	s31 =	ssub.s32 s1, s5;
	vm2 =	vgt.s32 v6, v0  }
0x98: {  	p0 =	slt.s32 s23, $0x1FF;
	s1 =	sand.u32 $0x7F, s1;
	s22 =	sand.u32 $0xFFFFFF80, s31;
	vm3 =	vle.s32 v6, v2;
	vm1 =	vmand vm2, vm1  }
0x99: {  	s23 =	simm.s32 @!p0 $0x1FF;
	s1 =	sor.u32 s1, s22;
	v6 =	vor.u32 s0, v1;
	vm1 =	vmand vm1, vm3  }
0x9a: {  	s0 =	sshll.u32 s23, $0x4;
	[tilespmem:s1+$0x2000] =	vst.msk vm1, v6  }
0x9b: {  	v6 =	vld [tilespmem:s0+$0x0];
	_ =	sdelay $0x4  }
0x9c: {  	vm1 =	vgt.s32 v6, $0x0  }
0x9d: {  	s1 =	simm.s32 $0x2;
	(xrf0) =	vadd.scan.msk.s32 $0xffff, v6;
	v6 =	vmpcnt.ones.xlane vm1;
	s22 =	spop (v2sf)  }
.LBB2_4:
0x9e: {  	p0 =	sne.s32 s1, $0x1F  }
0x9f: {  	s3 =	sadd.s32 s3, s22;
	s22 =	smov.u32 s1;
	s1 =	sadd.s32 $0x1, s1  }
0xa0: {  	p1 =	sgt.s32 s5, s3;
	(v2sf) =	vpush v6, $0x0;
	s23 =	smov.u32 s3  }
0xa1: {  	s23 =	smov.u32 @p1 s5  }
0xa2: {  	s23 =	smin.u32 s6, s23  }
0xa3: {  	s24 =	ssub.s32 s23, s5;
	v6, _, _ =	vpop (xrf0)  }
0xa4: {  	v6 =	vadd.s32 s3, v6;
	s24 =	sand.u32 $0xFFFFFF80, s24  }
0xa5: {  	s22 =	sadd.s32 s22, s4;
	vm2 =	vgt.s32 v6, v0  }
0xa6: {  	p1 =	slt.s32 s22, $0x1FF;
	s23 =	sand.u32 $0x7F, s23;
	vm3 =	vle.s32 v6, v2;
	vm1 =	vmand vm2, vm1  }
0xa7: {  	s22 =	simm.s32 @!p1 $0x1FF;
	v6 =	vor.u32 s0, v1;
	s23 =	sor.u32 s23, s24;
	vm1 =	vmand vm1, vm3  }
0xa8: {  	s0 =	sshll.u32 s22, $0x4;
	[tilespmem:s23+$0x2000] =	vst.msk vm1, v6  }
0xa9: {  	v6 =	vld [tilespmem:s0+$0x0];
	_ =	sdelay $0x1  }
.Ltmp1:
0xaa: {  	(pc) =	sbr.rel @p0 .LBB2_4-.Ltmp1, $3  }
0xab: {  	_ =	sdelay $0x1  }
0xac: {  	vm1 =	vgt.s32 v6, $0x0;
	(xrf0) =	vadd.scan.msk.s32 $0xffff, v6  }
0xad: {  	v6 =	vmpcnt.ones.xlane vm1;
	s22 =	spop (v2sf)  }
0xae: {  	_ =	sdelay $0x1  }
0xaf: {  	s1 =	sadd.s32 s3, s22  }
0xb0: {  	p0 =	sgt.s32 s5, s1;
	s3 =	smov.u32 s1  }
0xb1: {  	s3 =	smov.u32 @p0 s5;
	v7, _, _ =	vpop (xrf0)  }
0xb2: {  	s3 =	smin.u32 s6, s3;
	v7 =	vadd.s32 s1, v7  }
0xb3: {  	s9 =	ssub.s32 s3, s5;
	vm2 =	vgt.s32 v7, v0  }
0xb4: {  	s3 =	sand.u32 $0x7F, s3;
	s1 =	sand.u32 $0xFFFFFF80, s9;
	vm3 =	vle.s32 v7, v2;
	vm1 =	vmand vm2, vm1  }
0xb5: {  	v7 =	vor.u32 s0, v1;
	s10 =	sor.u32 s3, s1;
	vm1 =	vmand vm1, vm3  }
0xb6: {  	[tilespmem:s10+$0x2000] =	vst.msk vm1, v7  }
0xb7: {  	v7 =	vld.msk [tilespmem:$0x2000], $0xff;
	_ =	sdelay $0x4  }
0xb8: {  	v8 =	vshll.u32 v7, $0x5  }
0xb9: {  	v7 =	vand.u32 $0x7, v7;
	v8 =	vand.u32 $0xFFFFFF00, v8  }
0xba: {  	v7 =	vor.u32 v7, v8  }
0xbb: {  	v7 =	vperm.xlane v7, v4;
	_ =	sdelay $0x1  }
0xbc: {  	v7 =	vadd.s32 v5, v7;
	_ =	sdelay $0x2  }
0xbd: {  	s23 =	rddreg [dreg:$0x0]  }
0xbe: {  	s24 =	simm.s32 $0x2100;
	s8 =	rddreg [dreg:$0x16]  }
0xbf: {  	[tilespmem:s24], [sflag:$0x1] =	stream.indirect_vreg.gather [hbm4b:s23+s2], $0x80, v7, vm0, $0xb8;
	[tilespmem:$0x1A100] =	vst v63  }
0xc0: {  	s11 =	simm.s32 $0x2900;
	s9 =	rddreg [dreg:$0x17]  }
0xc1: {  	[tilespmem:s11], [sflag:$0x1] =	stream.indirect_vreg.gather [hbm4b:s8+s2], $0x80, v7, vm0, $0xb8;
	[tilespmem:$0x1A100] =	vst v63  }
0xc2: {  	s12 =	simm.s32 $0x3100;
	s10 =	rddreg [dreg:$0x18]  }
0xc3: {  	[tilespmem:s12], [sflag:$0x1] =	stream.indirect_vreg.gather [hbm4b:s9+s2], $0x80, v7, vm0, $0xb8;
	[tilespmem:$0x1A100] =	vst v63  }
0xc4: {  	s13 =	simm.s32 $0x3900;
	s11 =	rddreg [dreg:$0x19]  }
0xc5: {  	[tilespmem:s13], [sflag:$0x1] =	stream.indirect_vreg.gather [hbm4b:s10+s2], $0x80, v7, vm0, $0xb8;
	[tilespmem:$0x1A100] =	vst v63  }
0xc6: {  	s14 =	simm.s32 $0x4100;
	s12 =	rddreg [dreg:$0x1a]  }
0xc7: {  	[tilespmem:s14], [sflag:$0x1] =	stream.indirect_vreg.gather [hbm4b:s11+s2], $0x80, v7, vm0, $0xb8;
	[tilespmem:$0x1A100] =	vst v63  }
0xc8: {  	s15 =	simm.s32 $0x4900;
	s13 =	rddreg [dreg:$0x1b]  }
0xc9: {  	[tilespmem:s15], [sflag:$0x1] =	stream.indirect_vreg.gather [hbm4b:s12+s2], $0x80, v7, vm0, $0xb8;
	[tilespmem:$0x1A100] =	vst v63  }
0xca: {  	s16 =	simm.s32 $0x5100;
	s14 =	rddreg [dreg:$0x1c]  }
0xcb: {  	[tilespmem:s16], [sflag:$0x1] =	stream.indirect_vreg.gather [hbm4b:s13+s2], $0x80, v7, vm0, $0xb8;
	[tilespmem:$0x1A100] =	vst v63  }
0xcc: {  	s17 =	simm.s32 $0x5900;
	s15 =	rddreg [dreg:$0x1d]  }
0xcd: {  	[tilespmem:s17], [sflag:$0x1] =	stream.indirect_vreg.gather [hbm4b:s14+s2], $0x80, v7, vm0, $0xb8;
	[tilespmem:$0x1A100] =	vst v63  }
0xce: {  	s18 =	simm.s32 $0x6100;
	s16 =	rddreg [dreg:$0x1e]  }
0xcf: {  	[tilespmem:s18], [sflag:$0x1] =	stream.indirect_vreg.gather [hbm4b:s15+s2], $0x80, v7, vm0, $0xb8;
	[tilespmem:$0x1A100] =	vst v63  }
0xd0: {  	s19 =	simm.s32 $0x6900;
	s17 =	rddreg [dreg:$0x1f]  }
0xd1: {  	[tilespmem:s19], [sflag:$0x1] =	stream.indirect_vreg.gather [hbm4b:s16+s2], $0x80, v7, vm0, $0xb8;
	[tilespmem:$0x1A100] =	vst v63  }
0xd2: {  	s20 =	simm.s32 $0x7100;
	s18 =	sld [smem:$0x7F9]  }
0xd3: {  	[tilespmem:s20], [sflag:$0x1] =	stream.indirect_vreg.gather [hbm4b:s17+s2], $0x80, v7, vm0, $0xb8;
	[tilespmem:$0x1A100] =	vst v63  }
0xd4: {  	s21 =	simm.s32 $0x7900;
	s19 =	sld [smem:$0x7FA]  }
0xd5: {  	[tilespmem:s21], [sflag:$0x1] =	stream.indirect_vreg.gather [hbm4b:s18+s2], $0x80, v7, vm0, $0xb8;
	[tilespmem:$0x1A100] =	vst v63  }
0xd6: {  	s28 =	simm.s32 $0x8100;
	s20 =	sld [smem:$0x7FB]  }
0xd7: {  	[tilespmem:s28], [sflag:$0x1] =	stream.indirect_vreg.gather [hbm4b:s19+s2], $0x80, v7, vm0, $0xb8;
	[tilespmem:$0x1A100] =	vst v63  }
0xd8: {  	s29 =	simm.s32 $0x8900;
	s21 =	sld [smem:$0x7FC]  }
0xd9: {  	[tilespmem:s29], [sflag:$0x1] =	stream.indirect_vreg.gather [hbm4b:s20+s2], $0x80, v7, vm0, $0xb8;
	[tilespmem:$0x1A100] =	vst v63  }
0xda: {  	s1 =	simm.s32 $0x9100  }
0xdb: {  	[tilespmem:s1], [sflag:$0x1] =	stream.indirect_vreg.gather [hbm4b:s21+s2], $0x80, v7, vm0, $0xb8;
	[tilespmem:$0x1A100] =	vst v63  }
0xdc: {  	s1 =	sld [smem:$0x7FD];
	_ =	sdelay $0x1  }
0xdd: {  	s3 =	simm.s32 $0x9900  }
0xde: {  	[tilespmem:s3], [sflag:$0x1] =	stream.indirect_vreg.gather [hbm4b:s1+s2], $0x80, v7, vm0, $0xb8;
	[tilespmem:$0x1A100] =	vst v63  }
0xdf: {  	v7 =	vld.msk [tilespmem:$0x2008], $0xff;
	_ =	sdelay $0x4  }
0xe0: {  	v62 =	vshll.u32 v7, $0x5  }
0xe1: {  	v7 =	vand.u32 $0x7, v7;
	v8 =	vand.u32 $0xFFFFFF00, v62  }
0xe2: {  	v7 =	vor.u32 v7, v8  }
0xe3: {  	v7 =	vperm.xlane v7, v4;
	_ =	sdelay $0x1  }
0xe4: {  	v7 =	vadd.s32 v5, v7;
	_ =	sdelay $0x3  }
0xe5: {  	s29 =	simm.s32 $0xA100  }
0xe6: {  	[tilespmem:s29], [sflag:$0x2] =	stream.indirect_vreg.gather [hbm4b:s23+s2], $0x80, v7, vm0, $0xb8;
	[tilespmem:$0x1A100] =	vst v63  }
0xe7: {  	s28 =	simm.s32 $0xA900  }
0xe8: {  	[tilespmem:s28], [sflag:$0x2] =	stream.indirect_vreg.gather [hbm4b:s8+s2], $0x80, v7, vm0, $0xb8;
	[tilespmem:$0x1A100] =	vst v63  }
0xe9: {  	s28 =	simm.s32 $0xB100  }
0xea: {  	[tilespmem:s28], [sflag:$0x2] =	stream.indirect_vreg.gather [hbm4b:s9+s2], $0x80, v7, vm0, $0xb8;
	[tilespmem:$0x1A100] =	vst v63  }
0xeb: {  	s28 =	simm.s32 $0xB900  }
0xec: {  	[tilespmem:s28], [sflag:$0x2] =	stream.indirect_vreg.gather [hbm4b:s10+s2], $0x80, v7, vm0, $0xb8;
	[tilespmem:$0x1A100] =	vst v63  }
0xed: {  	s28 =	simm.s32 $0xC100  }
0xee: {  	[tilespmem:s28], [sflag:$0x2] =	stream.indirect_vreg.gather [hbm4b:s11+s2], $0x80, v7, vm0, $0xb8;
	[tilespmem:$0x1A100] =	vst v63  }
0xef: {  	s28 =	simm.s32 $0xC900  }
0xf0: {  	[tilespmem:s28], [sflag:$0x2] =	stream.indirect_vreg.gather [hbm4b:s12+s2], $0x80, v7, vm0, $0xb8;
	[tilespmem:$0x1A100] =	vst v63  }
0xf1: {  	s28 =	simm.s32 $0xD100  }
0xf2: {  	[tilespmem:s28], [sflag:$0x2] =	stream.indirect_vreg.gather [hbm4b:s13+s2], $0x80, v7, vm0, $0xb8;
	[tilespmem:$0x1A100] =	vst v63  }
0xf3: {  	s28 =	simm.s32 $0xD900  }
0xf4: {  	[tilespmem:s28], [sflag:$0x2] =	stream.indirect_vreg.gather [hbm4b:s14+s2], $0x80, v7, vm0, $0xb8;
	[tilespmem:$0x1A100] =	vst v63  }
0xf5: {  	s28 =	simm.s32 $0xE100  }
0xf6: {  	[tilespmem:s28], [sflag:$0x2] =	stream.indirect_vreg.gather [hbm4b:s15+s2], $0x80, v7, vm0, $0xb8;
	[tilespmem:$0x1A100] =	vst v63  }
0xf7: {  	s28 =	simm.s32 $0xE900  }
0xf8: {  	[tilespmem:s28], [sflag:$0x2] =	stream.indirect_vreg.gather [hbm4b:s16+s2], $0x80, v7, vm0, $0xb8;
	[tilespmem:$0x1A100] =	vst v63  }
0xf9: {  	s28 =	simm.s32 $0xF100  }
0xfa: {  	[tilespmem:s28], [sflag:$0x2] =	stream.indirect_vreg.gather [hbm4b:s17+s2], $0x80, v7, vm0, $0xb8;
	[tilespmem:$0x1A100] =	vst v63  }
0xfb: {  	s28 =	simm.s32 $0xF900  }
0xfc: {  	[tilespmem:s28], [sflag:$0x2] =	stream.indirect_vreg.gather [hbm4b:s18+s2], $0x80, v7, vm0, $0xb8;
	[tilespmem:$0x1A100] =	vst v63  }
0xfd: {  	s28 =	simm.s32 $0x10100  }
0xfe: {  	[tilespmem:s28], [sflag:$0x2] =	stream.indirect_vreg.gather [hbm4b:s19+s2], $0x80, v7, vm0, $0xb8;
	[tilespmem:$0x1A100] =	vst v63  }
0xff: {  	s28 =	simm.s32 $0x10900  }
0x100: {  	[tilespmem:s28], [sflag:$0x2] =	stream.indirect_vreg.gather [hbm4b:s20+s2], $0x80, v7, vm0, $0xb8;
	[tilespmem:$0x1A100] =	vst v63  }
0x101: {  	s28 =	simm.s32 $0x11100  }
0x102: {  	[tilespmem:s28], [sflag:$0x2] =	stream.indirect_vreg.gather [hbm4b:s21+s2], $0x80, v7, vm0, $0xb8;
	[tilespmem:$0x1A100] =	vst v63  }
0x103: {  	s28 =	simm.s32 $0x11900  }
0x104: {  	[tilespmem:s28], [sflag:$0x2] =	stream.indirect_vreg.gather [hbm4b:s1+s2], $0x80, v7, vm0, $0xb8;
	[tilespmem:$0x1A100] =	vst v63  }
0x105: {  	v7 =	vld.msk [tilespmem:$0x2010], $0xff;
	_ =	sdelay $0x4  }
0x106: {  	v63 =	vshll.u32 v7, $0x5  }
0x107: {  	v7 =	vand.u32 $0x7, v7;
	v8 =	vand.u32 $0xFFFFFF00, v63  }
0x108: {  	v7 =	vor.u32 v7, v8  }
0x109: {  	v7 =	vperm.xlane v7, v4;
	_ =	sdelay $0x1  }
0x10a: {  	v7 =	vadd.s32 v5, v7;
	_ =	sdelay $0x3  }
0x10b: {  	s28 =	simm.s32 $0x12100  }
0x10c: {  	[tilespmem:s28], [sflag:$0x3] =	stream.indirect_vreg.gather [hbm4b:s23+s2], $0x80, v7, vm0, $0xb8;
	[tilespmem:$0x1A100] =	vst v63  }
0x10d: {  	s0 =	simm.s32 $0x12900  }
0x10e: {  	[tilespmem:s0], [sflag:$0x3] =	stream.indirect_vreg.gather [hbm4b:s8+s2], $0x80, v7, vm0, $0xb8;
	[tilespmem:$0x1A100] =	vst v63  }
0x10f: {  	s0 =	simm.s32 $0x13100  }
0x110: {  	[tilespmem:s0], [sflag:$0x3] =	stream.indirect_vreg.gather [hbm4b:s9+s2], $0x80, v7, vm0, $0xb8;
	[tilespmem:$0x1A100] =	vst v63  }
0x111: {  	s0 =	simm.s32 $0x13900  }
0x112: {  	[tilespmem:s0], [sflag:$0x3] =	stream.indirect_vreg.gather [hbm4b:s10+s2], $0x80, v7, vm0, $0xb8;
	[tilespmem:$0x1A100] =	vst v63  }
0x113: {  	s0 =	simm.s32 $0x14100  }
0x114: {  	[tilespmem:s0], [sflag:$0x3] =	stream.indirect_vreg.gather [hbm4b:s11+s2], $0x80, v7, vm0, $0xb8;
	[tilespmem:$0x1A100] =	vst v63  }
0x115: {  	s0 =	simm.s32 $0x14900  }
0x116: {  	[tilespmem:s0], [sflag:$0x3] =	stream.indirect_vreg.gather [hbm4b:s12+s2], $0x80, v7, vm0, $0xb8;
	[tilespmem:$0x1A100] =	vst v63  }
0x117: {  	s0 =	simm.s32 $0x15100  }
0x118: {  	[tilespmem:s0], [sflag:$0x3] =	stream.indirect_vreg.gather [hbm4b:s13+s2], $0x80, v7, vm0, $0xb8;
	[tilespmem:$0x1A100] =	vst v63  }
0x119: {  	s0 =	simm.s32 $0x15900  }
0x11a: {  	(v2sf) =	vpush v6, $0x0;
	[tilespmem:s0], [sflag:$0x3] =	stream.indirect_vreg.gather [hbm4b:s14+s2], $0x80, v7, vm0, $0xb8;
	[tilespmem:$0x1A100] =	vst v63  }
0x11b: {  	s0 =	simm.s32 $0x16100  }
0x11c: {  	[tilespmem:s0], [sflag:$0x3] =	stream.indirect_vreg.gather [hbm4b:s15+s2], $0x80, v7, vm0, $0xb8;
	[tilespmem:$0x1A100] =	vst v63  }
0x11d: {  	s0 =	simm.s32 $0x16900  }
0x11e: {  	[tilespmem:s0], [sflag:$0x3] =	stream.indirect_vreg.gather [hbm4b:s16+s2], $0x80, v7, vm0, $0xb8;
	[tilespmem:$0x1A100] =	vst v63  }
0x11f: {  	s0 =	simm.s32 $0x17100  }
0x120: {  	[tilespmem:s0], [sflag:$0x3] =	stream.indirect_vreg.gather [hbm4b:s17+s2], $0x80, v7, vm0, $0xb8;
	[tilespmem:$0x1A100] =	vst v63  }
0x121: {  	s0 =	simm.s32 $0x17900  }
0x122: {  	[tilespmem:s0], [sflag:$0x3] =	stream.indirect_vreg.gather [hbm4b:s18+s2], $0x80, v7, vm0, $0xb8;
	[tilespmem:$0x1A100] =	vst v63  }
0x123: {  	s0 =	simm.s32 $0x18100  }
0x124: {  	[tilespmem:s0], [sflag:$0x3] =	stream.indirect_vreg.gather [hbm4b:s19+s2], $0x80, v7, vm0, $0xb8;
	[tilespmem:$0x1A100] =	vst v63  }
0x125: {  	s0 =	simm.s32 $0x18900  }
0x126: {  	[tilespmem:s0], [sflag:$0x3] =	stream.indirect_vreg.gather [hbm4b:s20+s2], $0x80, v7, vm0, $0xb8;
	[tilespmem:$0x1A100] =	vst v63  }
0x127: {  	s0 =	simm.s32 $0x19100  }
0x128: {  	[tilespmem:s0], [sflag:$0x3] =	stream.indirect_vreg.gather [hbm4b:s21+s2], $0x80, v7, vm0, $0xb8;
	[tilespmem:$0x1A100] =	vst v63  }
0x129: {  	s0 =	spop (v2sf)  }
0x12a: {  	s0 =	simm.s32 $0x19900  }
0x12b: {  	[tilespmem:s0], [sflag:$0x3] =	stream.indirect_vreg.gather [hbm4b:s1+s2], $0x80, v7, vm0, $0xb8;
	[tilespmem:$0x1A100] =	vst v63  }
0x12c: {  	_ =	swait.ge [sflag:s26], $0x8000  }
0x12d: {  	[sflag:s26] =	ssyncset.done $0x0  }
0x12e: {  	s0 =	rddreg [dreg:$0x5];
	[sflag:s26] =	ssyncadd.s32 $0xFFFF8000  }
0x12f: {  	[hbm4b:s0+s2] =	stream.linear.scatter [tilespmem:s24], [sflag:$0x4], $0x8000, $0x38;
	[tilespmem:$0x1A100] =	vst v63  }
0x130: {  	_ =	swait.ge [sflag:s7], $0x8000  }
0x131: {  	[sflag:s7] =	ssyncset.done $0x0  }
0x132: {  	[sflag:s7] =	ssyncadd.s32 $0xFFFF8000  }
0x133: {  	v6 =	vld.msk [tilespmem:$0x2018], $0xff;
	_ =	sdelay $0x4  }
0x134: {  	v7 =	vshll.u32 v6, $0x5  }
0x135: {  	v6 =	vand.u32 $0x7, v6;
	v7 =	vand.u32 $0xFFFFFF00, v7  }
0x136: {  	v6 =	vor.u32 v6, v7  }
0x137: {  	v6 =	vperm.xlane v6, v4;
	_ =	sdelay $0x1  }
0x138: {  	v6 =	vadd.s32 v5, v6;
	_ =	sdelay $0x4  }
0x139: {  	[tilespmem:s24], [sflag:$0x1] =	stream.indirect_vreg.gather [hbm4b:s23+s2], $0x80, v6, vm0, $0xb8;
	[tilespmem:$0x1A100] =	vst v63  }
0x13a: {  	s0 =	simm.s32 $0x2900  }
0x13b: {  	[tilespmem:s0], [sflag:$0x1] =	stream.indirect_vreg.gather [hbm4b:s8+s2], $0x80, v6, vm0, $0xb8;
	[tilespmem:$0x1A100] =	vst v63  }
0x13c: {  	s4 =	simm.s32 $0x3100  }
0x13d: {  	[tilespmem:s4], [sflag:$0x1] =	stream.indirect_vreg.gather [hbm4b:s9+s2], $0x80, v6, vm0, $0xb8;
	[tilespmem:$0x1A100] =	vst v63  }
0x13e: {  	s22 =	simm.s32 $0x3900  }
0x13f: {  	[tilespmem:s22], [sflag:$0x1] =	stream.indirect_vreg.gather [hbm4b:s10+s2], $0x80, v6, vm0, $0xb8;
	[tilespmem:$0x1A100] =	vst v63  }
0x140: {  	s25 =	simm.s32 $0x4100  }
0x141: {  	[tilespmem:s25], [sflag:$0x1] =	stream.indirect_vreg.gather [hbm4b:s11+s2], $0x80, v6, vm0, $0xb8;
	[tilespmem:$0x1A100] =	vst v63  }
0x142: {  	s30 =	simm.s32 $0x4900  }
0x143: {  	[tilespmem:s30], [sflag:$0x1] =	stream.indirect_vreg.gather [hbm4b:s12+s2], $0x80, v6, vm0, $0xb8;
	[tilespmem:$0x1A100] =	vst v63  }
0x144: {  	s31 =	simm.s32 $0x5100  }
0x145: {  	[tilespmem:s31], [sflag:$0x1] =	stream.indirect_vreg.gather [hbm4b:s13+s2], $0x80, v6, vm0, $0xb8;
	[tilespmem:$0x1A100] =	vst v63  }
0x146: {  	s25 =	simm.s32 $0x5900  }
0x147: {  	[tilespmem:s25], [sflag:$0x1] =	stream.indirect_vreg.gather [hbm4b:s14+s2], $0x80, v6, vm0, $0xb8;
	[tilespmem:$0x1A100] =	vst v63  }
0x148: {  	s4 =	simm.s32 $0x6100  }
0x149: {  	[tilespmem:s4], [sflag:$0x1] =	stream.indirect_vreg.gather [hbm4b:s15+s2], $0x80, v6, vm0, $0xb8;
	[tilespmem:$0x1A100] =	vst v63  }
0x14a: {  	s22 =	simm.s32 $0x6900  }
0x14b: {  	[tilespmem:s22], [sflag:$0x1] =	stream.indirect_vreg.gather [hbm4b:s16+s2], $0x80, v6, vm0, $0xb8;
	[tilespmem:$0x1A100] =	vst v63  }
0x14c: {  	s25 =	simm.s32 $0x7100  }
0x14d: {  	[tilespmem:s25], [sflag:$0x1] =	stream.indirect_vreg.gather [hbm4b:s17+s2], $0x80, v6, vm0, $0xb8;
	[tilespmem:$0x1A100] =	vst v63  }
0x14e: {  	s4 =	simm.s32 $0x7900  }
0x14f: {  	[tilespmem:s4], [sflag:$0x1] =	stream.indirect_vreg.gather [hbm4b:s18+s2], $0x80, v6, vm0, $0xb8;
	[tilespmem:$0x1A100] =	vst v63  }
0x150: {  	s22 =	simm.s32 $0x8100  }
0x151: {  	[tilespmem:s22], [sflag:$0x1] =	stream.indirect_vreg.gather [hbm4b:s19+s2], $0x80, v6, vm0, $0xb8;
	[tilespmem:$0x1A100] =	vst v63  }
0x152: {  	s25 =	simm.s32 $0x8900  }
0x153: {  	[tilespmem:s25], [sflag:$0x1] =	stream.indirect_vreg.gather [hbm4b:s20+s2], $0x80, v6, vm0, $0xb8;
	[tilespmem:$0x1A100] =	vst v63  }
0x154: {  	s4 =	simm.s32 $0x9100  }
0x155: {  	[tilespmem:s4], [sflag:$0x1] =	stream.indirect_vreg.gather [hbm4b:s21+s2], $0x80, v6, vm0, $0xb8;
	[tilespmem:$0x1A100] =	vst v63  }
0x156: {  	s3 =	simm.s32 $0x9900;
	s25 =	simm.s32 $0x2  }
0x157: {  	[tilespmem:s3], [sflag:$0x1] =	stream.indirect_vreg.gather [hbm4b:s1+s2], $0x80, v6, vm0, $0xb8;
	[tilespmem:$0x1A100] =	vst v63  }
0x158: {  	_ =	swait.ge [sflag:s25], $0x8000  }
0x159: {  	[sflag:s25] =	ssyncset.done $0x0  }
0x15a: {  	s22 =	rddreg [dreg:$0x6];
	[sflag:s25] =	ssyncadd.s32 $0xFFFF8000  }
0x15b: {  	[hbm4b:s22+s2] =	stream.linear.scatter [tilespmem:s29], [sflag:$0x5], $0x8000, $0x38;
	[tilespmem:$0x1A100] =	vst v63  }
0x15c: {  	s22 =	simm.s32 $0x5  }
0x15d: {  	_ =	swait.ge [sflag:s22], $0x8000  }
0x15e: {  	[sflag:s22] =	ssyncset.done $0x0  }
0x15f: {  	[sflag:s22] =	ssyncadd.s32 $0xFFFF8000  }
0x160: {  	v6 =	vld.msk [tilespmem:$0x2020], $0xff;
	_ =	sdelay $0x4  }
0x161: {  	v7 =	vshll.u32 v6, $0x5  }
0x162: {  	v6 =	vand.u32 $0x7, v6;
	v7 =	vand.u32 $0xFFFFFF00, v7  }
0x163: {  	v6 =	vor.u32 v6, v7  }
0x164: {  	v6 =	vperm.xlane v6, v4;
	_ =	sdelay $0x1  }
0x165: {  	v6 =	vadd.s32 v5, v6;
	_ =	sdelay $0x4  }
0x166: {  	[tilespmem:s29], [sflag:$0x2] =	stream.indirect_vreg.gather [hbm4b:s23+s2], $0x80, v6, vm0, $0xb8;
	[tilespmem:$0x1A100] =	vst v63  }
0x167: {  	s3 =	simm.s32 $0xA900  }
0x168: {  	[tilespmem:s3], [sflag:$0x2] =	stream.indirect_vreg.gather [hbm4b:s8+s2], $0x80, v6, vm0, $0xb8;
	[tilespmem:$0x1A100] =	vst v63  }
0x169: {  	s4 =	simm.s32 $0xB100  }
0x16a: {  	[tilespmem:s4], [sflag:$0x2] =	stream.indirect_vreg.gather [hbm4b:s9+s2], $0x80, v6, vm0, $0xb8;
	[tilespmem:$0x1A100] =	vst v63  }
0x16b: {  	s3 =	simm.s32 $0xB900  }
0x16c: {  	[tilespmem:s3], [sflag:$0x2] =	stream.indirect_vreg.gather [hbm4b:s10+s2], $0x80, v6, vm0, $0xb8;
	[tilespmem:$0x1A100] =	vst v63  }
0x16d: {  	s4 =	simm.s32 $0xC100  }
0x16e: {  	[tilespmem:s4], [sflag:$0x2] =	stream.indirect_vreg.gather [hbm4b:s11+s2], $0x80, v6, vm0, $0xb8;
	[tilespmem:$0x1A100] =	vst v63  }
0x16f: {  	s3 =	simm.s32 $0xC900  }
0x170: {  	[tilespmem:s3], [sflag:$0x2] =	stream.indirect_vreg.gather [hbm4b:s12+s2], $0x80, v6, vm0, $0xb8;
	[tilespmem:$0x1A100] =	vst v63  }
0x171: {  	s4 =	simm.s32 $0xD100  }
0x172: {  	[tilespmem:s4], [sflag:$0x2] =	stream.indirect_vreg.gather [hbm4b:s13+s2], $0x80, v6, vm0, $0xb8;
	[tilespmem:$0x1A100] =	vst v63  }
0x173: {  	s3 =	simm.s32 $0xD900  }
0x174: {  	[tilespmem:s3], [sflag:$0x2] =	stream.indirect_vreg.gather [hbm4b:s14+s2], $0x80, v6, vm0, $0xb8;
	[tilespmem:$0x1A100] =	vst v63  }
0x175: {  	s4 =	simm.s32 $0xE100  }
0x176: {  	[tilespmem:s4], [sflag:$0x2] =	stream.indirect_vreg.gather [hbm4b:s15+s2], $0x80, v6, vm0, $0xb8;
	[tilespmem:$0x1A100] =	vst v63  }
0x177: {  	s3 =	simm.s32 $0xE900  }
0x178: {  	[tilespmem:s3], [sflag:$0x2] =	stream.indirect_vreg.gather [hbm4b:s16+s2], $0x80, v6, vm0, $0xb8;
	[tilespmem:$0x1A100] =	vst v63  }
0x179: {  	s4 =	simm.s32 $0xF100  }
0x17a: {  	[tilespmem:s4], [sflag:$0x2] =	stream.indirect_vreg.gather [hbm4b:s17+s2], $0x80, v6, vm0, $0xb8;
	[tilespmem:$0x1A100] =	vst v63  }
0x17b: {  	s3 =	simm.s32 $0xF900  }
0x17c: {  	[tilespmem:s3], [sflag:$0x2] =	stream.indirect_vreg.gather [hbm4b:s18+s2], $0x80, v6, vm0, $0xb8;
	[tilespmem:$0x1A100] =	vst v63  }
0x17d: {  	s4 =	simm.s32 $0x10100  }
0x17e: {  	[tilespmem:s4], [sflag:$0x2] =	stream.indirect_vreg.gather [hbm4b:s19+s2], $0x80, v6, vm0, $0xb8;
	[tilespmem:$0x1A100] =	vst v63  }
0x17f: {  	s3 =	simm.s32 $0x10900  }
0x180: {  	[tilespmem:s3], [sflag:$0x2] =	stream.indirect_vreg.gather [hbm4b:s20+s2], $0x80, v6, vm0, $0xb8;
	[tilespmem:$0x1A100] =	vst v63  }
0x181: {  	s4 =	simm.s32 $0x11100  }
0x182: {  	[tilespmem:s4], [sflag:$0x2] =	stream.indirect_vreg.gather [hbm4b:s21+s2], $0x80, v6, vm0, $0xb8;
	[tilespmem:$0x1A100] =	vst v63  }
0x183: {  	s3 =	simm.s32 $0x11900  }
0x184: {  	[tilespmem:s3], [sflag:$0x2] =	stream.indirect_vreg.gather [hbm4b:s1+s2], $0x80, v6, vm0, $0xb8;
	[tilespmem:$0x1A100] =	vst v63  }
0x185: {  	s3 =	simm.s32 $0x3  }
0x186: {  	_ =	swait.ge [sflag:s3], $0x8000  }
0x187: {  	[sflag:s3] =	ssyncset.done $0x0  }
0x188: {  	s4 =	rddreg [dreg:$0x7];
	[sflag:s3] =	ssyncadd.s32 $0xFFFF8000  }
0x189: {  	[hbm4b:s4+s2] =	stream.linear.scatter [tilespmem:s28], [sflag:$0x6], $0x8000, $0x38;
	[tilespmem:$0x1A100] =	vst v63  }
0x18a: {  	s4 =	simm.s32 $0x6  }
0x18b: {  	_ =	swait.ge [sflag:s4], $0x8000  }
0x18c: {  	[sflag:s4] =	ssyncset.done $0x0  }
0x18d: {  	[sflag:s4] =	ssyncadd.s32 $0xFFFF8000  }
0x18e: {  	v6 =	vld.msk [tilespmem:$0x2028], $0xff;
	_ =	sdelay $0x4  }
0x18f: {  	v7 =	vshll.u32 v6, $0x5  }
0x190: {  	v6 =	vand.u32 $0x7, v6;
	v7 =	vand.u32 $0xFFFFFF00, v7  }
0x191: {  	v6 =	vor.u32 v6, v7  }
0x192: {  	v6 =	vperm.xlane v6, v4;
	_ =	sdelay $0x1  }
0x193: {  	v6 =	vadd.s32 v5, v6;
	_ =	sdelay $0x4  }
0x194: {  	[tilespmem:s28], [sflag:$0x3] =	stream.indirect_vreg.gather [hbm4b:s23+s2], $0x80, v6, vm0, $0xb8;
	[tilespmem:$0x1A100] =	vst v63  }
0x195: {  	s0 =	simm.s32 $0x12900  }
0x196: {  	[tilespmem:s0], [sflag:$0x3] =	stream.indirect_vreg.gather [hbm4b:s8+s2], $0x80, v6, vm0, $0xb8;
	[tilespmem:$0x1A100] =	vst v63  }
0x197: {  	s0 =	simm.s32 $0x13100  }
0x198: {  	[tilespmem:s0], [sflag:$0x3] =	stream.indirect_vreg.gather [hbm4b:s9+s2], $0x80, v6, vm0, $0xb8;
	[tilespmem:$0x1A100] =	vst v63  }
0x199: {  	s0 =	simm.s32 $0x13900  }
0x19a: {  	[tilespmem:s0], [sflag:$0x3] =	stream.indirect_vreg.gather [hbm4b:s10+s2], $0x80, v6, vm0, $0xb8;
	[tilespmem:$0x1A100] =	vst v63  }
0x19b: {  	s0 =	simm.s32 $0x14100  }
0x19c: {  	[tilespmem:s0], [sflag:$0x3] =	stream.indirect_vreg.gather [hbm4b:s11+s2], $0x80, v6, vm0, $0xb8;
	[tilespmem:$0x1A100] =	vst v63  }
0x19d: {  	s0 =	simm.s32 $0x14900  }
0x19e: {  	[tilespmem:s0], [sflag:$0x3] =	stream.indirect_vreg.gather [hbm4b:s12+s2], $0x80, v6, vm0, $0xb8;
	[tilespmem:$0x1A100] =	vst v63  }
0x19f: {  	s0 =	simm.s32 $0x15100  }
0x1a0: {  	[tilespmem:s0], [sflag:$0x3] =	stream.indirect_vreg.gather [hbm4b:s13+s2], $0x80, v6, vm0, $0xb8;
	[tilespmem:$0x1A100] =	vst v63  }
0x1a1: {  	s0 =	simm.s32 $0x15900  }
0x1a2: {  	[tilespmem:s0], [sflag:$0x3] =	stream.indirect_vreg.gather [hbm4b:s14+s2], $0x80, v6, vm0, $0xb8;
	[tilespmem:$0x1A100] =	vst v63  }
0x1a3: {  	s0 =	simm.s32 $0x16100  }
0x1a4: {  	[tilespmem:s0], [sflag:$0x3] =	stream.indirect_vreg.gather [hbm4b:s15+s2], $0x80, v6, vm0, $0xb8;
	[tilespmem:$0x1A100] =	vst v63  }
0x1a5: {  	s0 =	simm.s32 $0x16900  }
0x1a6: {  	[tilespmem:s0], [sflag:$0x3] =	stream.indirect_vreg.gather [hbm4b:s16+s2], $0x80, v6, vm0, $0xb8;
	[tilespmem:$0x1A100] =	vst v63  }
0x1a7: {  	s0 =	simm.s32 $0x17100  }
0x1a8: {  	[tilespmem:s0], [sflag:$0x3] =	stream.indirect_vreg.gather [hbm4b:s17+s2], $0x80, v6, vm0, $0xb8;
	[tilespmem:$0x1A100] =	vst v63  }
0x1a9: {  	s0 =	simm.s32 $0x17900  }
0x1aa: {  	[tilespmem:s0], [sflag:$0x3] =	stream.indirect_vreg.gather [hbm4b:s18+s2], $0x80, v6, vm0, $0xb8;
	[tilespmem:$0x1A100] =	vst v63  }
0x1ab: {  	s0 =	simm.s32 $0x18100  }
0x1ac: {  	[tilespmem:s0], [sflag:$0x3] =	stream.indirect_vreg.gather [hbm4b:s19+s2], $0x80, v6, vm0, $0xb8;
	[tilespmem:$0x1A100] =	vst v63  }
0x1ad: {  	s0 =	simm.s32 $0x18900  }
0x1ae: {  	[tilespmem:s0], [sflag:$0x3] =	stream.indirect_vreg.gather [hbm4b:s20+s2], $0x80, v6, vm0, $0xb8;
	[tilespmem:$0x1A100] =	vst v63  }
0x1af: {  	s0 =	simm.s32 $0x19100  }
0x1b0: {  	[tilespmem:s0], [sflag:$0x3] =	stream.indirect_vreg.gather [hbm4b:s21+s2], $0x80, v6, vm0, $0xb8;
	[tilespmem:$0x1A100] =	vst v63  }
0x1b1: {  	s0 =	simm.s32 $0x19900  }
0x1b2: {  	[tilespmem:s0], [sflag:$0x3] =	stream.indirect_vreg.gather [hbm4b:s1+s2], $0x80, v6, vm0, $0xb8;
	[tilespmem:$0x1A100] =	vst v63  }
0x1b3: {  	_ =	swait.ge [sflag:s26], $0x8000  }
0x1b4: {  	[sflag:s26] =	ssyncset.done $0x0  }
0x1b5: {  	s0 =	rddreg [dreg:$0x9];
	[sflag:s26] =	ssyncadd.s32 $0xFFFF8000  }
0x1b6: {  	[hbm4b:s0+s2] =	stream.linear.scatter [tilespmem:s24], [sflag:$0x4], $0x8000, $0x38;
	[tilespmem:$0x1A100] =	vst v63  }
0x1b7: {  	_ =	swait.ge [sflag:s7], $0x8000  }
0x1b8: {  	[sflag:s7] =	ssyncset.done $0x0  }
0x1b9: {  	[sflag:s7] =	ssyncadd.s32 $0xFFFF8000  }
0x1ba: {  	v6 =	vld.msk [tilespmem:$0x2030], $0xff;
	_ =	sdelay $0x4  }
0x1bb: {  	v7 =	vshll.u32 v6, $0x5  }
0x1bc: {  	v6 =	vand.u32 $0x7, v6;
	v7 =	vand.u32 $0xFFFFFF00, v7  }
0x1bd: {  	v6 =	vor.u32 v6, v7  }
0x1be: {  	v6 =	vperm.xlane v6, v4;
	_ =	sdelay $0x1  }
0x1bf: {  	v6 =	vadd.s32 v5, v6;
	_ =	sdelay $0x4  }
0x1c0: {  	[tilespmem:s24], [sflag:$0x1] =	stream.indirect_vreg.gather [hbm4b:s23+s2], $0x80, v6, vm0, $0xb8;
	[tilespmem:$0x1A100] =	vst v63  }
0x1c1: {  	s0 =	simm.s32 $0x2900  }
0x1c2: {  	[tilespmem:s0], [sflag:$0x1] =	stream.indirect_vreg.gather [hbm4b:s8+s2], $0x80, v6, vm0, $0xb8;
	[tilespmem:$0x1A100] =	vst v63  }
0x1c3: {  	s0 =	simm.s32 $0x3100  }
0x1c4: {  	[tilespmem:s0], [sflag:$0x1] =	stream.indirect_vreg.gather [hbm4b:s9+s2], $0x80, v6, vm0, $0xb8;
	[tilespmem:$0x1A100] =	vst v63  }
0x1c5: {  	s0 =	simm.s32 $0x3900  }
0x1c6: {  	[tilespmem:s0], [sflag:$0x1] =	stream.indirect_vreg.gather [hbm4b:s10+s2], $0x80, v6, vm0, $0xb8;
	[tilespmem:$0x1A100] =	vst v63  }
0x1c7: {  	s0 =	simm.s32 $0x4100  }
0x1c8: {  	[tilespmem:s0], [sflag:$0x1] =	stream.indirect_vreg.gather [hbm4b:s11+s2], $0x80, v6, vm0, $0xb8;
	[tilespmem:$0x1A100] =	vst v63  }
0x1c9: {  	s30 =	simm.s32 $0x4900  }
0x1ca: {  	[tilespmem:s30], [sflag:$0x1] =	stream.indirect_vreg.gather [hbm4b:s12+s2], $0x80, v6, vm0, $0xb8;
	[tilespmem:$0x1A100] =	vst v63  }
0x1cb: {  	s31 =	simm.s32 $0x5100  }
0x1cc: {  	[tilespmem:s31], [sflag:$0x1] =	stream.indirect_vreg.gather [hbm4b:s13+s2], $0x80, v6, vm0, $0xb8;
	[tilespmem:$0x1A100] =	vst v63  }
0x1cd: {  	s30 =	simm.s32 $0x5900  }
0x1ce: {  	[tilespmem:s30], [sflag:$0x1] =	stream.indirect_vreg.gather [hbm4b:s14+s2], $0x80, v6, vm0, $0xb8;
	[tilespmem:$0x1A100] =	vst v63  }
0x1cf: {  	s30 =	simm.s32 $0x6100  }
0x1d0: {  	[tilespmem:s30], [sflag:$0x1] =	stream.indirect_vreg.gather [hbm4b:s15+s2], $0x80, v6, vm0, $0xb8;
	[tilespmem:$0x1A100] =	vst v63  }
0x1d1: {  	s30 =	simm.s32 $0x6900  }
0x1d2: {  	[tilespmem:s30], [sflag:$0x1] =	stream.indirect_vreg.gather [hbm4b:s16+s2], $0x80, v6, vm0, $0xb8;
	[tilespmem:$0x1A100] =	vst v63  }
0x1d3: {  	s30 =	simm.s32 $0x7100  }
0x1d4: {  	[tilespmem:s30], [sflag:$0x1] =	stream.indirect_vreg.gather [hbm4b:s17+s2], $0x80, v6, vm0, $0xb8;
	[tilespmem:$0x1A100] =	vst v63  }
0x1d5: {  	s30 =	simm.s32 $0x7900  }
0x1d6: {  	[tilespmem:s30], [sflag:$0x1] =	stream.indirect_vreg.gather [hbm4b:s18+s2], $0x80, v6, vm0, $0xb8;
	[tilespmem:$0x1A100] =	vst v63  }
0x1d7: {  	s30 =	simm.s32 $0x8100  }
0x1d8: {  	[tilespmem:s30], [sflag:$0x1] =	stream.indirect_vreg.gather [hbm4b:s19+s2], $0x80, v6, vm0, $0xb8;
	[tilespmem:$0x1A100] =	vst v63  }
0x1d9: {  	s30 =	simm.s32 $0x8900  }
0x1da: {  	[tilespmem:s30], [sflag:$0x1] =	stream.indirect_vreg.gather [hbm4b:s20+s2], $0x80, v6, vm0, $0xb8;
	[tilespmem:$0x1A100] =	vst v63  }
0x1db: {  	s30 =	simm.s32 $0x9100  }
0x1dc: {  	[tilespmem:s30], [sflag:$0x1] =	stream.indirect_vreg.gather [hbm4b:s21+s2], $0x80, v6, vm0, $0xb8;
	[tilespmem:$0x1A100] =	vst v63  }
0x1dd: {  	s30 =	simm.s32 $0x9900  }
0x1de: {  	[tilespmem:s30], [sflag:$0x1] =	stream.indirect_vreg.gather [hbm4b:s1+s2], $0x80, v6, vm0, $0xb8;
	[tilespmem:$0x1A100] =	vst v63  }
0x1df: {  	_ =	swait.ge [sflag:s25], $0x8000  }
0x1e0: {  	[sflag:s25] =	ssyncset.done $0x0  }
0x1e1: {  	s0 =	rddreg [dreg:$0xa];
	[sflag:s25] =	ssyncadd.s32 $0xFFFF8000  }
0x1e2: {  	[hbm4b:s0+s2] =	stream.linear.scatter [tilespmem:s29], [sflag:$0x5], $0x8000, $0x38;
	[tilespmem:$0x1A100] =	vst v63  }
0x1e3: {  	_ =	swait.ge [sflag:s22], $0x8000  }
0x1e4: {  	[sflag:s22] =	ssyncset.done $0x0  }
0x1e5: {  	[sflag:s22] =	ssyncadd.s32 $0xFFFF8000  }
0x1e6: {  	v6 =	vld.msk [tilespmem:$0x2038], $0xff;
	_ =	sdelay $0x4  }
0x1e7: {  	v7 =	vshll.u32 v6, $0x5  }
0x1e8: {  	v6 =	vand.u32 $0x7, v6;
	v7 =	vand.u32 $0xFFFFFF00, v7  }
0x1e9: {  	v6 =	vor.u32 v6, v7  }
0x1ea: {  	v6 =	vperm.xlane v6, v4;
	_ =	sdelay $0x1  }
0x1eb: {  	v6 =	vadd.s32 v5, v6;
	_ =	sdelay $0x4  }
0x1ec: {  	[tilespmem:s29], [sflag:$0x2] =	stream.indirect_vreg.gather [hbm4b:s23+s2], $0x80, v6, vm0, $0xb8;
	[tilespmem:$0x1A100] =	vst v63  }
0x1ed: {  	s0 =	simm.s32 $0xA900  }
0x1ee: {  	[tilespmem:s0], [sflag:$0x2] =	stream.indirect_vreg.gather [hbm4b:s8+s2], $0x80, v6, vm0, $0xb8;
	[tilespmem:$0x1A100] =	vst v63  }
0x1ef: {  	s0 =	simm.s32 $0xB100  }
0x1f0: {  	[tilespmem:s0], [sflag:$0x2] =	stream.indirect_vreg.gather [hbm4b:s9+s2], $0x80, v6, vm0, $0xb8;
	[tilespmem:$0x1A100] =	vst v63  }
0x1f1: {  	s0 =	simm.s32 $0xB900  }
0x1f2: {  	[tilespmem:s0], [sflag:$0x2] =	stream.indirect_vreg.gather [hbm4b:s10+s2], $0x80, v6, vm0, $0xb8;
	[tilespmem:$0x1A100] =	vst v63  }
0x1f3: {  	s0 =	simm.s32 $0xC100  }
0x1f4: {  	[tilespmem:s0], [sflag:$0x2] =	stream.indirect_vreg.gather [hbm4b:s11+s2], $0x80, v6, vm0, $0xb8;
	[tilespmem:$0x1A100] =	vst v63  }
0x1f5: {  	s0 =	simm.s32 $0xC900  }
0x1f6: {  	[tilespmem:s0], [sflag:$0x2] =	stream.indirect_vreg.gather [hbm4b:s12+s2], $0x80, v6, vm0, $0xb8;
	[tilespmem:$0x1A100] =	vst v63  }
0x1f7: {  	s0 =	simm.s32 $0xD100  }
0x1f8: {  	[tilespmem:s0], [sflag:$0x2] =	stream.indirect_vreg.gather [hbm4b:s13+s2], $0x80, v6, vm0, $0xb8;
	[tilespmem:$0x1A100] =	vst v63  }
0x1f9: {  	s0 =	simm.s32 $0xD900  }
0x1fa: {  	[tilespmem:s0], [sflag:$0x2] =	stream.indirect_vreg.gather [hbm4b:s14+s2], $0x80, v6, vm0, $0xb8;
	[tilespmem:$0x1A100] =	vst v63  }
0x1fb: {  	s0 =	simm.s32 $0xE100  }
0x1fc: {  	[tilespmem:s0], [sflag:$0x2] =	stream.indirect_vreg.gather [hbm4b:s15+s2], $0x80, v6, vm0, $0xb8;
	[tilespmem:$0x1A100] =	vst v63  }
0x1fd: {  	s0 =	simm.s32 $0xE900  }
0x1fe: {  	[tilespmem:s0], [sflag:$0x2] =	stream.indirect_vreg.gather [hbm4b:s16+s2], $0x80, v6, vm0, $0xb8;
	[tilespmem:$0x1A100] =	vst v63  }
0x1ff: {  	s0 =	simm.s32 $0xF100  }
0x200: {  	[tilespmem:s0], [sflag:$0x2] =	stream.indirect_vreg.gather [hbm4b:s17+s2], $0x80, v6, vm0, $0xb8;
	[tilespmem:$0x1A100] =	vst v63  }
0x201: {  	s0 =	simm.s32 $0xF900  }
0x202: {  	[tilespmem:s0], [sflag:$0x2] =	stream.indirect_vreg.gather [hbm4b:s18+s2], $0x80, v6, vm0, $0xb8;
	[tilespmem:$0x1A100] =	vst v63  }
0x203: {  	s0 =	simm.s32 $0x10100  }
0x204: {  	[tilespmem:s0], [sflag:$0x2] =	stream.indirect_vreg.gather [hbm4b:s19+s2], $0x80, v6, vm0, $0xb8;
	[tilespmem:$0x1A100] =	vst v63  }
0x205: {  	s0 =	simm.s32 $0x10900  }
0x206: {  	[tilespmem:s0], [sflag:$0x2] =	stream.indirect_vreg.gather [hbm4b:s20+s2], $0x80, v6, vm0, $0xb8;
	[tilespmem:$0x1A100] =	vst v63  }
0x207: {  	s0 =	simm.s32 $0x11100  }
0x208: {  	[tilespmem:s0], [sflag:$0x2] =	stream.indirect_vreg.gather [hbm4b:s21+s2], $0x80, v6, vm0, $0xb8;
	[tilespmem:$0x1A100] =	vst v63  }
0x209: {  	s0 =	simm.s32 $0x11900  }
0x20a: {  	[tilespmem:s0], [sflag:$0x2] =	stream.indirect_vreg.gather [hbm4b:s1+s2], $0x80, v6, vm0, $0xb8;
	[tilespmem:$0x1A100] =	vst v63  }
0x20b: {  	_ =	swait.ge [sflag:s3], $0x8000  }
0x20c: {  	[sflag:s3] =	ssyncset.done $0x0  }
0x20d: {  	s0 =	rddreg [dreg:$0xb];
	[sflag:s3] =	ssyncadd.s32 $0xFFFF8000  }
0x20e: {  	[hbm4b:s0+s2] =	stream.linear.scatter [tilespmem:s28], [sflag:$0x6], $0x8000, $0x38;
	[tilespmem:$0x1A100] =	vst v63  }
0x20f: {  	_ =	swait.ge [sflag:s4], $0x8000  }
0x210: {  	[sflag:s4] =	ssyncset.done $0x0  }
0x211: {  	[sflag:s4] =	ssyncadd.s32 $0xFFFF8000  }
0x212: {  	v6 =	vld.msk [tilespmem:$0x2040], $0xff;
	_ =	sdelay $0x4  }
0x213: {  	v7 =	vshll.u32 v6, $0x5  }
0x214: {  	v6 =	vand.u32 $0x7, v6;
	v7 =	vand.u32 $0xFFFFFF00, v7  }
0x215: {  	v6 =	vor.u32 v6, v7  }
0x216: {  	v6 =	vperm.xlane v6, v4;
	_ =	sdelay $0x1  }
0x217: {  	v6 =	vadd.s32 v5, v6;
	_ =	sdelay $0x4  }
0x218: {  	[tilespmem:s28], [sflag:$0x3] =	stream.indirect_vreg.gather [hbm4b:s23+s2], $0x80, v6, vm0, $0xb8;
	[tilespmem:$0x1A100] =	vst v63  }
0x219: {  	s0 =	simm.s32 $0x12900  }
0x21a: {  	[tilespmem:s0], [sflag:$0x3] =	stream.indirect_vreg.gather [hbm4b:s8+s2], $0x80, v6, vm0, $0xb8;
	[tilespmem:$0x1A100] =	vst v63  }
0x21b: {  	s0 =	simm.s32 $0x13100  }
0x21c: {  	[tilespmem:s0], [sflag:$0x3] =	stream.indirect_vreg.gather [hbm4b:s9+s2], $0x80, v6, vm0, $0xb8;
	[tilespmem:$0x1A100] =	vst v63  }
0x21d: {  	s0 =	simm.s32 $0x13900  }
0x21e: {  	[tilespmem:s0], [sflag:$0x3] =	stream.indirect_vreg.gather [hbm4b:s10+s2], $0x80, v6, vm0, $0xb8;
	[tilespmem:$0x1A100] =	vst v63  }
0x21f: {  	s0 =	simm.s32 $0x14100  }
0x220: {  	[tilespmem:s0], [sflag:$0x3] =	stream.indirect_vreg.gather [hbm4b:s11+s2], $0x80, v6, vm0, $0xb8;
	[tilespmem:$0x1A100] =	vst v63  }
0x221: {  	s0 =	simm.s32 $0x14900  }
0x222: {  	[tilespmem:s0], [sflag:$0x3] =	stream.indirect_vreg.gather [hbm4b:s12+s2], $0x80, v6, vm0, $0xb8;
	[tilespmem:$0x1A100] =	vst v63  }
0x223: {  	s0 =	simm.s32 $0x15100  }
0x224: {  	[tilespmem:s0], [sflag:$0x3] =	stream.indirect_vreg.gather [hbm4b:s13+s2], $0x80, v6, vm0, $0xb8;
	[tilespmem:$0x1A100] =	vst v63  }
0x225: {  	s0 =	simm.s32 $0x15900  }
0x226: {  	[tilespmem:s0], [sflag:$0x3] =	stream.indirect_vreg.gather [hbm4b:s14+s2], $0x80, v6, vm0, $0xb8;
	[tilespmem:$0x1A100] =	vst v63  }
0x227: {  	s0 =	simm.s32 $0x16100  }
0x228: {  	[tilespmem:s0], [sflag:$0x3] =	stream.indirect_vreg.gather [hbm4b:s15+s2], $0x80, v6, vm0, $0xb8;
	[tilespmem:$0x1A100] =	vst v63  }
0x229: {  	s0 =	simm.s32 $0x16900  }
0x22a: {  	[tilespmem:s0], [sflag:$0x3] =	stream.indirect_vreg.gather [hbm4b:s16+s2], $0x80, v6, vm0, $0xb8;
	[tilespmem:$0x1A100] =	vst v63  }
0x22b: {  	s0 =	simm.s32 $0x17100  }
0x22c: {  	[tilespmem:s0], [sflag:$0x3] =	stream.indirect_vreg.gather [hbm4b:s17+s2], $0x80, v6, vm0, $0xb8;
	[tilespmem:$0x1A100] =	vst v63  }
0x22d: {  	s0 =	simm.s32 $0x17900  }
0x22e: {  	[tilespmem:s0], [sflag:$0x3] =	stream.indirect_vreg.gather [hbm4b:s18+s2], $0x80, v6, vm0, $0xb8;
	[tilespmem:$0x1A100] =	vst v63  }
0x22f: {  	s0 =	simm.s32 $0x18100  }
0x230: {  	[tilespmem:s0], [sflag:$0x3] =	stream.indirect_vreg.gather [hbm4b:s19+s2], $0x80, v6, vm0, $0xb8;
	[tilespmem:$0x1A100] =	vst v63  }
0x231: {  	s0 =	simm.s32 $0x18900  }
0x232: {  	[tilespmem:s0], [sflag:$0x3] =	stream.indirect_vreg.gather [hbm4b:s20+s2], $0x80, v6, vm0, $0xb8;
	[tilespmem:$0x1A100] =	vst v63  }
0x233: {  	s0 =	simm.s32 $0x19100  }
0x234: {  	[tilespmem:s0], [sflag:$0x3] =	stream.indirect_vreg.gather [hbm4b:s21+s2], $0x80, v6, vm0, $0xb8;
	[tilespmem:$0x1A100] =	vst v63  }
0x235: {  	s0 =	simm.s32 $0x19900  }
0x236: {  	[tilespmem:s0], [sflag:$0x3] =	stream.indirect_vreg.gather [hbm4b:s1+s2], $0x80, v6, vm0, $0xb8;
	[tilespmem:$0x1A100] =	vst v63  }
0x237: {  	_ =	swait.ge [sflag:s26], $0x8000  }
0x238: {  	[sflag:s26] =	ssyncset.done $0x0  }
0x239: {  	s0 =	rddreg [dreg:$0xc];
	[sflag:s26] =	ssyncadd.s32 $0xFFFF8000  }
0x23a: {  	[hbm4b:s0+s2] =	stream.linear.scatter [tilespmem:s24], [sflag:$0x4], $0x8000, $0x38;
	[tilespmem:$0x1A100] =	vst v63  }
0x23b: {  	_ =	swait.ge [sflag:s7], $0x8000  }
0x23c: {  	[sflag:s7] =	ssyncset.done $0x0  }
0x23d: {  	[sflag:s7] =	ssyncadd.s32 $0xFFFF8000  }
0x23e: {  	v6 =	vld.msk [tilespmem:$0x2048], $0xff;
	_ =	sdelay $0x4  }
0x23f: {  	v7 =	vshll.u32 v6, $0x5  }
0x240: {  	v6 =	vand.u32 $0x7, v6;
	v7 =	vand.u32 $0xFFFFFF00, v7  }
0x241: {  	v6 =	vor.u32 v6, v7  }
0x242: {  	v6 =	vperm.xlane v6, v4;
	_ =	sdelay $0x1  }
0x243: {  	v6 =	vadd.s32 v5, v6;
	_ =	sdelay $0x4  }
0x244: {  	[tilespmem:s24], [sflag:$0x1] =	stream.indirect_vreg.gather [hbm4b:s23+s2], $0x80, v6, vm0, $0xb8;
	[tilespmem:$0x1A100] =	vst v63  }
0x245: {  	s0 =	simm.s32 $0x2900  }
0x246: {  	[tilespmem:s0], [sflag:$0x1] =	stream.indirect_vreg.gather [hbm4b:s8+s2], $0x80, v6, vm0, $0xb8;
	[tilespmem:$0x1A100] =	vst v63  }
0x247: {  	s0 =	simm.s32 $0x3100  }
0x248: {  	[tilespmem:s0], [sflag:$0x1] =	stream.indirect_vreg.gather [hbm4b:s9+s2], $0x80, v6, vm0, $0xb8;
	[tilespmem:$0x1A100] =	vst v63  }
0x249: {  	s0 =	simm.s32 $0x3900  }
0x24a: {  	[tilespmem:s0], [sflag:$0x1] =	stream.indirect_vreg.gather [hbm4b:s10+s2], $0x80, v6, vm0, $0xb8;
	[tilespmem:$0x1A100] =	vst v63  }
0x24b: {  	s0 =	simm.s32 $0x4100  }
0x24c: {  	[tilespmem:s0], [sflag:$0x1] =	stream.indirect_vreg.gather [hbm4b:s11+s2], $0x80, v6, vm0, $0xb8;
	[tilespmem:$0x1A100] =	vst v63  }
0x24d: {  	s0 =	simm.s32 $0x4900  }
0x24e: {  	[tilespmem:s0], [sflag:$0x1] =	stream.indirect_vreg.gather [hbm4b:s12+s2], $0x80, v6, vm0, $0xb8;
	[tilespmem:$0x1A100] =	vst v63  }
0x24f: {  	s31 =	simm.s32 $0x5100  }
0x250: {  	[tilespmem:s31], [sflag:$0x1] =	stream.indirect_vreg.gather [hbm4b:s13+s2], $0x80, v6, vm0, $0xb8;
	[tilespmem:$0x1A100] =	vst v63  }
0x251: {  	s31 =	simm.s32 $0x5900  }
0x252: {  	[tilespmem:s31], [sflag:$0x1] =	stream.indirect_vreg.gather [hbm4b:s14+s2], $0x80, v6, vm0, $0xb8;
	[tilespmem:$0x1A100] =	vst v63  }
0x253: {  	s31 =	simm.s32 $0x6100  }
0x254: {  	[tilespmem:s31], [sflag:$0x1] =	stream.indirect_vreg.gather [hbm4b:s15+s2], $0x80, v6, vm0, $0xb8;
	[tilespmem:$0x1A100] =	vst v63  }
0x255: {  	s31 =	simm.s32 $0x6900  }
0x256: {  	[tilespmem:s31], [sflag:$0x1] =	stream.indirect_vreg.gather [hbm4b:s16+s2], $0x80, v6, vm0, $0xb8;
	[tilespmem:$0x1A100] =	vst v63  }
0x257: {  	s31 =	simm.s32 $0x7100  }
0x258: {  	[tilespmem:s31], [sflag:$0x1] =	stream.indirect_vreg.gather [hbm4b:s17+s2], $0x80, v6, vm0, $0xb8;
	[tilespmem:$0x1A100] =	vst v63  }
0x259: {  	s31 =	simm.s32 $0x7900  }
0x25a: {  	[tilespmem:s31], [sflag:$0x1] =	stream.indirect_vreg.gather [hbm4b:s18+s2], $0x80, v6, vm0, $0xb8;
	[tilespmem:$0x1A100] =	vst v63  }
0x25b: {  	s31 =	simm.s32 $0x8100  }
0x25c: {  	[tilespmem:s31], [sflag:$0x1] =	stream.indirect_vreg.gather [hbm4b:s19+s2], $0x80, v6, vm0, $0xb8;
	[tilespmem:$0x1A100] =	vst v63  }
0x25d: {  	s31 =	simm.s32 $0x8900  }
0x25e: {  	[tilespmem:s31], [sflag:$0x1] =	stream.indirect_vreg.gather [hbm4b:s20+s2], $0x80, v6, vm0, $0xb8;
	[tilespmem:$0x1A100] =	vst v63  }
0x25f: {  	s31 =	simm.s32 $0x9100  }
0x260: {  	[tilespmem:s31], [sflag:$0x1] =	stream.indirect_vreg.gather [hbm4b:s21+s2], $0x80, v6, vm0, $0xb8;
	[tilespmem:$0x1A100] =	vst v63  }
0x261: {  	s30 =	simm.s32 $0x9900  }
0x262: {  	[tilespmem:s30], [sflag:$0x1] =	stream.indirect_vreg.gather [hbm4b:s1+s2], $0x80, v6, vm0, $0xb8;
	[tilespmem:$0x1A100] =	vst v63  }
0x263: {  	_ =	swait.ge [sflag:s25], $0x8000  }
0x264: {  	[sflag:s25] =	ssyncset.done $0x0  }
0x265: {  	s31 =	rddreg [dreg:$0xd];
	[sflag:s25] =	ssyncadd.s32 $0xFFFF8000  }
0x266: {  	[hbm4b:s31+s2] =	stream.linear.scatter [tilespmem:s29], [sflag:$0x5], $0x8000, $0x38;
	[tilespmem:$0x1A100] =	vst v63  }
0x267: {  	_ =	swait.ge [sflag:s22], $0x8000  }
0x268: {  	[sflag:s22] =	ssyncset.done $0x0  }
0x269: {  	[sflag:s22] =	ssyncadd.s32 $0xFFFF8000  }
0x26a: {  	v6 =	vld.msk [tilespmem:$0x2050], $0xff;
	_ =	sdelay $0x4  }
0x26b: {  	v7 =	vshll.u32 v6, $0x5  }
0x26c: {  	v6 =	vand.u32 $0x7, v6;
	v7 =	vand.u32 $0xFFFFFF00, v7  }
0x26d: {  	v6 =	vor.u32 v6, v7  }
0x26e: {  	v6 =	vperm.xlane v6, v4;
	_ =	sdelay $0x1  }
0x26f: {  	v6 =	vadd.s32 v5, v6;
	_ =	sdelay $0x4  }
0x270: {  	[tilespmem:s29], [sflag:$0x2] =	stream.indirect_vreg.gather [hbm4b:s23+s2], $0x80, v6, vm0, $0xb8;
	[tilespmem:$0x1A100] =	vst v63  }
0x271: {  	s30 =	simm.s32 $0xA900  }
0x272: {  	[tilespmem:s30], [sflag:$0x2] =	stream.indirect_vreg.gather [hbm4b:s8+s2], $0x80, v6, vm0, $0xb8;
	[tilespmem:$0x1A100] =	vst v63  }
0x273: {  	s31 =	simm.s32 $0xB100  }
0x274: {  	[tilespmem:s31], [sflag:$0x2] =	stream.indirect_vreg.gather [hbm4b:s9+s2], $0x80, v6, vm0, $0xb8;
	[tilespmem:$0x1A100] =	vst v63  }
0x275: {  	s30 =	simm.s32 $0xB900  }
0x276: {  	[tilespmem:s30], [sflag:$0x2] =	stream.indirect_vreg.gather [hbm4b:s10+s2], $0x80, v6, vm0, $0xb8;
	[tilespmem:$0x1A100] =	vst v63  }
0x277: {  	s31 =	simm.s32 $0xC100  }
0x278: {  	[tilespmem:s31], [sflag:$0x2] =	stream.indirect_vreg.gather [hbm4b:s11+s2], $0x80, v6, vm0, $0xb8;
	[tilespmem:$0x1A100] =	vst v63  }
0x279: {  	s30 =	simm.s32 $0xC900  }
0x27a: {  	[tilespmem:s30], [sflag:$0x2] =	stream.indirect_vreg.gather [hbm4b:s12+s2], $0x80, v6, vm0, $0xb8;
	[tilespmem:$0x1A100] =	vst v63  }
0x27b: {  	s31 =	simm.s32 $0xD100  }
0x27c: {  	[tilespmem:s31], [sflag:$0x2] =	stream.indirect_vreg.gather [hbm4b:s13+s2], $0x80, v6, vm0, $0xb8;
	[tilespmem:$0x1A100] =	vst v63  }
0x27d: {  	s30 =	simm.s32 $0xD900  }
0x27e: {  	[tilespmem:s30], [sflag:$0x2] =	stream.indirect_vreg.gather [hbm4b:s14+s2], $0x80, v6, vm0, $0xb8;
	[tilespmem:$0x1A100] =	vst v63  }
0x27f: {  	s31 =	simm.s32 $0xE100  }
0x280: {  	[tilespmem:s31], [sflag:$0x2] =	stream.indirect_vreg.gather [hbm4b:s15+s2], $0x80, v6, vm0, $0xb8;
	[tilespmem:$0x1A100] =	vst v63  }
0x281: {  	s30 =	simm.s32 $0xE900  }
0x282: {  	[tilespmem:s30], [sflag:$0x2] =	stream.indirect_vreg.gather [hbm4b:s16+s2], $0x80, v6, vm0, $0xb8;
	[tilespmem:$0x1A100] =	vst v63  }
0x283: {  	s31 =	simm.s32 $0xF100  }
0x284: {  	[tilespmem:s31], [sflag:$0x2] =	stream.indirect_vreg.gather [hbm4b:s17+s2], $0x80, v6, vm0, $0xb8;
	[tilespmem:$0x1A100] =	vst v63  }
0x285: {  	s30 =	simm.s32 $0xF900  }
0x286: {  	[tilespmem:s30], [sflag:$0x2] =	stream.indirect_vreg.gather [hbm4b:s18+s2], $0x80, v6, vm0, $0xb8;
	[tilespmem:$0x1A100] =	vst v63  }
0x287: {  	s31 =	simm.s32 $0x10100  }
0x288: {  	[tilespmem:s31], [sflag:$0x2] =	stream.indirect_vreg.gather [hbm4b:s19+s2], $0x80, v6, vm0, $0xb8;
	[tilespmem:$0x1A100] =	vst v63  }
0x289: {  	s30 =	simm.s32 $0x10900  }
0x28a: {  	[tilespmem:s30], [sflag:$0x2] =	stream.indirect_vreg.gather [hbm4b:s20+s2], $0x80, v6, vm0, $0xb8;
	[tilespmem:$0x1A100] =	vst v63  }
0x28b: {  	s31 =	simm.s32 $0x11100  }
0x28c: {  	[tilespmem:s31], [sflag:$0x2] =	stream.indirect_vreg.gather [hbm4b:s21+s2], $0x80, v6, vm0, $0xb8;
	[tilespmem:$0x1A100] =	vst v63  }
0x28d: {  	s30 =	simm.s32 $0x11900  }
0x28e: {  	[tilespmem:s30], [sflag:$0x2] =	stream.indirect_vreg.gather [hbm4b:s1+s2], $0x80, v6, vm0, $0xb8;
	[tilespmem:$0x1A100] =	vst v63  }
0x28f: {  	_ =	swait.ge [sflag:s3], $0x8000  }
0x290: {  	[sflag:s3] =	ssyncset.done $0x0  }
0x291: {  	s31 =	rddreg [dreg:$0xe];
	[sflag:s3] =	ssyncadd.s32 $0xFFFF8000  }
0x292: {  	[hbm4b:s31+s2] =	stream.linear.scatter [tilespmem:s28], [sflag:$0x6], $0x8000, $0x38;
	[tilespmem:$0x1A100] =	vst v63  }
0x293: {  	_ =	swait.ge [sflag:s4], $0x8000  }
0x294: {  	[sflag:s4] =	ssyncset.done $0x0  }
0x295: {  	[sflag:s4] =	ssyncadd.s32 $0xFFFF8000  }
0x296: {  	v6 =	vld.msk [tilespmem:$0x2058], $0xff;
	_ =	sdelay $0x4  }
0x297: {  	v7 =	vshll.u32 v6, $0x5  }
0x298: {  	v6 =	vand.u32 $0x7, v6;
	v7 =	vand.u32 $0xFFFFFF00, v7  }
0x299: {  	v6 =	vor.u32 v6, v7  }
0x29a: {  	v6 =	vperm.xlane v6, v4;
	_ =	sdelay $0x1  }
0x29b: {  	v6 =	vadd.s32 v5, v6;
	_ =	sdelay $0x4  }
0x29c: {  	[tilespmem:s28], [sflag:$0x3] =	stream.indirect_vreg.gather [hbm4b:s23+s2], $0x80, v6, vm0, $0xb8;
	[tilespmem:$0x1A100] =	vst v63  }
0x29d: {  	s31 =	simm.s32 $0x12900  }
0x29e: {  	[tilespmem:s31], [sflag:$0x3] =	stream.indirect_vreg.gather [hbm4b:s8+s2], $0x80, v6, vm0, $0xb8;
	[tilespmem:$0x1A100] =	vst v63  }
0x29f: {  	s0 =	simm.s32 $0x13100  }
0x2a0: {  	[tilespmem:s0], [sflag:$0x3] =	stream.indirect_vreg.gather [hbm4b:s9+s2], $0x80, v6, vm0, $0xb8;
	[tilespmem:$0x1A100] =	vst v63  }
0x2a1: {  	s0 =	simm.s32 $0x13900  }
0x2a2: {  	[tilespmem:s0], [sflag:$0x3] =	stream.indirect_vreg.gather [hbm4b:s10+s2], $0x80, v6, vm0, $0xb8;
	[tilespmem:$0x1A100] =	vst v63  }
0x2a3: {  	s0 =	simm.s32 $0x14100  }
0x2a4: {  	[tilespmem:s0], [sflag:$0x3] =	stream.indirect_vreg.gather [hbm4b:s11+s2], $0x80, v6, vm0, $0xb8;
	[tilespmem:$0x1A100] =	vst v63  }
0x2a5: {  	s0 =	simm.s32 $0x14900  }
0x2a6: {  	[tilespmem:s0], [sflag:$0x3] =	stream.indirect_vreg.gather [hbm4b:s12+s2], $0x80, v6, vm0, $0xb8;
	[tilespmem:$0x1A100] =	vst v63  }
0x2a7: {  	s0 =	simm.s32 $0x15100  }
0x2a8: {  	[tilespmem:s0], [sflag:$0x3] =	stream.indirect_vreg.gather [hbm4b:s13+s2], $0x80, v6, vm0, $0xb8;
	[tilespmem:$0x1A100] =	vst v63  }
0x2a9: {  	s0 =	simm.s32 $0x15900  }
0x2aa: {  	[tilespmem:s0], [sflag:$0x3] =	stream.indirect_vreg.gather [hbm4b:s14+s2], $0x80, v6, vm0, $0xb8;
	[tilespmem:$0x1A100] =	vst v63  }
0x2ab: {  	s0 =	simm.s32 $0x16100  }
0x2ac: {  	[tilespmem:s0], [sflag:$0x3] =	stream.indirect_vreg.gather [hbm4b:s15+s2], $0x80, v6, vm0, $0xb8;
	[tilespmem:$0x1A100] =	vst v63  }
0x2ad: {  	s0 =	simm.s32 $0x16900  }
0x2ae: {  	[tilespmem:s0], [sflag:$0x3] =	stream.indirect_vreg.gather [hbm4b:s16+s2], $0x80, v6, vm0, $0xb8;
	[tilespmem:$0x1A100] =	vst v63  }
0x2af: {  	s0 =	simm.s32 $0x17100  }
0x2b0: {  	[tilespmem:s0], [sflag:$0x3] =	stream.indirect_vreg.gather [hbm4b:s17+s2], $0x80, v6, vm0, $0xb8;
	[tilespmem:$0x1A100] =	vst v63  }
0x2b1: {  	s0 =	simm.s32 $0x17900  }
0x2b2: {  	[tilespmem:s0], [sflag:$0x3] =	stream.indirect_vreg.gather [hbm4b:s18+s2], $0x80, v6, vm0, $0xb8;
	[tilespmem:$0x1A100] =	vst v63  }
0x2b3: {  	s0 =	simm.s32 $0x18100  }
0x2b4: {  	[tilespmem:s0], [sflag:$0x3] =	stream.indirect_vreg.gather [hbm4b:s19+s2], $0x80, v6, vm0, $0xb8;
	[tilespmem:$0x1A100] =	vst v63  }
0x2b5: {  	s0 =	simm.s32 $0x18900  }
0x2b6: {  	[tilespmem:s0], [sflag:$0x3] =	stream.indirect_vreg.gather [hbm4b:s20+s2], $0x80, v6, vm0, $0xb8;
	[tilespmem:$0x1A100] =	vst v63  }
0x2b7: {  	s0 =	simm.s32 $0x19100  }
0x2b8: {  	[tilespmem:s0], [sflag:$0x3] =	stream.indirect_vreg.gather [hbm4b:s21+s2], $0x80, v6, vm0, $0xb8;
	[tilespmem:$0x1A100] =	vst v63  }
0x2b9: {  	s0 =	simm.s32 $0x19900  }
0x2ba: {  	[tilespmem:s0], [sflag:$0x3] =	stream.indirect_vreg.gather [hbm4b:s1+s2], $0x80, v6, vm0, $0xb8;
	[tilespmem:$0x1A100] =	vst v63  }
0x2bb: {  	_ =	swait.ge [sflag:s26], $0x8000  }
0x2bc: {  	[sflag:s26] =	ssyncset.done $0x0  }
0x2bd: {  	s0 =	rddreg [dreg:$0xf];
	[sflag:s26] =	ssyncadd.s32 $0xFFFF8000  }
0x2be: {  	[hbm4b:s0+s2] =	stream.linear.scatter [tilespmem:s24], [sflag:$0x4], $0x8000, $0x38;
	[tilespmem:$0x1A100] =	vst v63  }
0x2bf: {  	_ =	swait.ge [sflag:s7], $0x8000  }
0x2c0: {  	[sflag:s7] =	ssyncset.done $0x0  }
0x2c1: {  	[sflag:s7] =	ssyncadd.s32 $0xFFFF8000  }
0x2c2: {  	v6 =	vld.msk [tilespmem:$0x2060], $0xff;
	_ =	sdelay $0x4  }
0x2c3: {  	v7 =	vshll.u32 v6, $0x5  }
0x2c4: {  	v6 =	vand.u32 $0x7, v6;
	v7 =	vand.u32 $0xFFFFFF00, v7  }
0x2c5: {  	v6 =	vor.u32 v6, v7  }
0x2c6: {  	v6 =	vperm.xlane v6, v4;
	_ =	sdelay $0x1  }
0x2c7: {  	v6 =	vadd.s32 v5, v6;
	_ =	sdelay $0x4  }
0x2c8: {  	[tilespmem:s24], [sflag:$0x1] =	stream.indirect_vreg.gather [hbm4b:s23+s2], $0x80, v6, vm0, $0xb8;
	[tilespmem:$0x1A100] =	vst v63  }
0x2c9: {  	s0 =	simm.s32 $0x2900  }
0x2ca: {  	[tilespmem:s0], [sflag:$0x1] =	stream.indirect_vreg.gather [hbm4b:s8+s2], $0x80, v6, vm0, $0xb8;
	[tilespmem:$0x1A100] =	vst v63  }
0x2cb: {  	s0 =	simm.s32 $0x3100  }
0x2cc: {  	[tilespmem:s0], [sflag:$0x1] =	stream.indirect_vreg.gather [hbm4b:s9+s2], $0x80, v6, vm0, $0xb8;
	[tilespmem:$0x1A100] =	vst v63  }
0x2cd: {  	s0 =	simm.s32 $0x3900  }
0x2ce: {  	[tilespmem:s0], [sflag:$0x1] =	stream.indirect_vreg.gather [hbm4b:s10+s2], $0x80, v6, vm0, $0xb8;
	[tilespmem:$0x1A100] =	vst v63  }
0x2cf: {  	s0 =	simm.s32 $0x4100  }
0x2d0: {  	[tilespmem:s0], [sflag:$0x1] =	stream.indirect_vreg.gather [hbm4b:s11+s2], $0x80, v6, vm0, $0xb8;
	[tilespmem:$0x1A100] =	vst v63  }
0x2d1: {  	s0 =	simm.s32 $0x4900  }
0x2d2: {  	[tilespmem:s0], [sflag:$0x1] =	stream.indirect_vreg.gather [hbm4b:s12+s2], $0x80, v6, vm0, $0xb8;
	[tilespmem:$0x1A100] =	vst v63  }
0x2d3: {  	s0 =	simm.s32 $0x5100  }
0x2d4: {  	[tilespmem:s0], [sflag:$0x1] =	stream.indirect_vreg.gather [hbm4b:s13+s2], $0x80, v6, vm0, $0xb8;
	[tilespmem:$0x1A100] =	vst v63  }
0x2d5: {  	s0 =	simm.s32 $0x5900  }
0x2d6: {  	[tilespmem:s0], [sflag:$0x1] =	stream.indirect_vreg.gather [hbm4b:s14+s2], $0x80, v6, vm0, $0xb8;
	[tilespmem:$0x1A100] =	vst v63  }
0x2d7: {  	s0 =	simm.s32 $0x6100  }
0x2d8: {  	[tilespmem:s0], [sflag:$0x1] =	stream.indirect_vreg.gather [hbm4b:s15+s2], $0x80, v6, vm0, $0xb8;
	[tilespmem:$0x1A100] =	vst v63  }
0x2d9: {  	s0 =	simm.s32 $0x6900  }
0x2da: {  	[tilespmem:s0], [sflag:$0x1] =	stream.indirect_vreg.gather [hbm4b:s16+s2], $0x80, v6, vm0, $0xb8;
	[tilespmem:$0x1A100] =	vst v63  }
0x2db: {  	s0 =	simm.s32 $0x7100  }
0x2dc: {  	[tilespmem:s0], [sflag:$0x1] =	stream.indirect_vreg.gather [hbm4b:s17+s2], $0x80, v6, vm0, $0xb8;
	[tilespmem:$0x1A100] =	vst v63  }
0x2dd: {  	s0 =	simm.s32 $0x7900  }
0x2de: {  	[tilespmem:s0], [sflag:$0x1] =	stream.indirect_vreg.gather [hbm4b:s18+s2], $0x80, v6, vm0, $0xb8;
	[tilespmem:$0x1A100] =	vst v63  }
0x2df: {  	s0 =	simm.s32 $0x8100  }
0x2e0: {  	[tilespmem:s0], [sflag:$0x1] =	stream.indirect_vreg.gather [hbm4b:s19+s2], $0x80, v6, vm0, $0xb8;
	[tilespmem:$0x1A100] =	vst v63  }
0x2e1: {  	s0 =	simm.s32 $0x8900  }
0x2e2: {  	[tilespmem:s0], [sflag:$0x1] =	stream.indirect_vreg.gather [hbm4b:s20+s2], $0x80, v6, vm0, $0xb8;
	[tilespmem:$0x1A100] =	vst v63  }
0x2e3: {  	s0 =	simm.s32 $0x9100  }
0x2e4: {  	[tilespmem:s0], [sflag:$0x1] =	stream.indirect_vreg.gather [hbm4b:s21+s2], $0x80, v6, vm0, $0xb8;
	[tilespmem:$0x1A100] =	vst v63  }
0x2e5: {  	s0 =	simm.s32 $0x9900  }
0x2e6: {  	[tilespmem:s0], [sflag:$0x1] =	stream.indirect_vreg.gather [hbm4b:s1+s2], $0x80, v6, vm0, $0xb8;
	[tilespmem:$0x1A100] =	vst v63  }
0x2e7: {  	_ =	swait.ge [sflag:s25], $0x8000  }
0x2e8: {  	[sflag:s25] =	ssyncset.done $0x0  }
0x2e9: {  	s0 =	rddreg [dreg:$0x10];
	[sflag:s25] =	ssyncadd.s32 $0xFFFF8000  }
0x2ea: {  	[hbm4b:s0+s2] =	stream.linear.scatter [tilespmem:s29], [sflag:$0x5], $0x8000, $0x38;
	[tilespmem:$0x1A100] =	vst v63  }
0x2eb: {  	_ =	swait.ge [sflag:s22], $0x8000  }
0x2ec: {  	[sflag:s22] =	ssyncset.done $0x0  }
0x2ed: {  	[sflag:s22] =	ssyncadd.s32 $0xFFFF8000  }
0x2ee: {  	v6 =	vld.msk [tilespmem:$0x2068], $0xff;
	_ =	sdelay $0x4  }
0x2ef: {  	v7 =	vshll.u32 v6, $0x5  }
0x2f0: {  	v6 =	vand.u32 $0x7, v6;
	v7 =	vand.u32 $0xFFFFFF00, v7  }
0x2f1: {  	v6 =	vor.u32 v6, v7  }
0x2f2: {  	v6 =	vperm.xlane v6, v4;
	_ =	sdelay $0x1  }
0x2f3: {  	v6 =	vadd.s32 v5, v6;
	_ =	sdelay $0x4  }
0x2f4: {  	[tilespmem:s29], [sflag:$0x2] =	stream.indirect_vreg.gather [hbm4b:s23+s2], $0x80, v6, vm0, $0xb8;
	[tilespmem:$0x1A100] =	vst v63  }
0x2f5: {  	s0 =	simm.s32 $0xA900  }
0x2f6: {  	[tilespmem:s0], [sflag:$0x2] =	stream.indirect_vreg.gather [hbm4b:s8+s2], $0x80, v6, vm0, $0xb8;
	[tilespmem:$0x1A100] =	vst v63  }
0x2f7: {  	s0 =	simm.s32 $0xB100  }
0x2f8: {  	[tilespmem:s0], [sflag:$0x2] =	stream.indirect_vreg.gather [hbm4b:s9+s2], $0x80, v6, vm0, $0xb8;
	[tilespmem:$0x1A100] =	vst v63  }
0x2f9: {  	s0 =	simm.s32 $0xB900  }
0x2fa: {  	[tilespmem:s0], [sflag:$0x2] =	stream.indirect_vreg.gather [hbm4b:s10+s2], $0x80, v6, vm0, $0xb8;
	[tilespmem:$0x1A100] =	vst v63  }
0x2fb: {  	s0 =	simm.s32 $0xC100  }
0x2fc: {  	[tilespmem:s0], [sflag:$0x2] =	stream.indirect_vreg.gather [hbm4b:s11+s2], $0x80, v6, vm0, $0xb8;
	[tilespmem:$0x1A100] =	vst v63  }
0x2fd: {  	s0 =	simm.s32 $0xC900  }
0x2fe: {  	[tilespmem:s0], [sflag:$0x2] =	stream.indirect_vreg.gather [hbm4b:s12+s2], $0x80, v6, vm0, $0xb8;
	[tilespmem:$0x1A100] =	vst v63  }
0x2ff: {  	s0 =	simm.s32 $0xD100  }
0x300: {  	[tilespmem:s0], [sflag:$0x2] =	stream.indirect_vreg.gather [hbm4b:s13+s2], $0x80, v6, vm0, $0xb8;
	[tilespmem:$0x1A100] =	vst v63  }
0x301: {  	s0 =	simm.s32 $0xD900  }
0x302: {  	[tilespmem:s0], [sflag:$0x2] =	stream.indirect_vreg.gather [hbm4b:s14+s2], $0x80, v6, vm0, $0xb8;
	[tilespmem:$0x1A100] =	vst v63  }
0x303: {  	s0 =	simm.s32 $0xE100  }
0x304: {  	[tilespmem:s0], [sflag:$0x2] =	stream.indirect_vreg.gather [hbm4b:s15+s2], $0x80, v6, vm0, $0xb8;
	[tilespmem:$0x1A100] =	vst v63  }
0x305: {  	s0 =	simm.s32 $0xE900  }
0x306: {  	[tilespmem:s0], [sflag:$0x2] =	stream.indirect_vreg.gather [hbm4b:s16+s2], $0x80, v6, vm0, $0xb8;
	[tilespmem:$0x1A100] =	vst v63  }
0x307: {  	s0 =	simm.s32 $0xF100  }
0x308: {  	[tilespmem:s0], [sflag:$0x2] =	stream.indirect_vreg.gather [hbm4b:s17+s2], $0x80, v6, vm0, $0xb8;
	[tilespmem:$0x1A100] =	vst v63  }
0x309: {  	s0 =	simm.s32 $0xF900  }
0x30a: {  	[tilespmem:s0], [sflag:$0x2] =	stream.indirect_vreg.gather [hbm4b:s18+s2], $0x80, v6, vm0, $0xb8;
	[tilespmem:$0x1A100] =	vst v63  }
0x30b: {  	s0 =	simm.s32 $0x10100  }
0x30c: {  	[tilespmem:s0], [sflag:$0x2] =	stream.indirect_vreg.gather [hbm4b:s19+s2], $0x80, v6, vm0, $0xb8;
	[tilespmem:$0x1A100] =	vst v63  }
0x30d: {  	s0 =	simm.s32 $0x10900  }
0x30e: {  	[tilespmem:s0], [sflag:$0x2] =	stream.indirect_vreg.gather [hbm4b:s20+s2], $0x80, v6, vm0, $0xb8;
	[tilespmem:$0x1A100] =	vst v63  }
0x30f: {  	s0 =	simm.s32 $0x11100  }
0x310: {  	[tilespmem:s0], [sflag:$0x2] =	stream.indirect_vreg.gather [hbm4b:s21+s2], $0x80, v6, vm0, $0xb8;
	[tilespmem:$0x1A100] =	vst v63  }
0x311: {  	s30 =	simm.s32 $0x11900  }
0x312: {  	[tilespmem:s30], [sflag:$0x2] =	stream.indirect_vreg.gather [hbm4b:s1+s2], $0x80, v6, vm0, $0xb8;
	[tilespmem:$0x1A100] =	vst v63  }
0x313: {  	_ =	swait.ge [sflag:s3], $0x8000  }
0x314: {  	[sflag:s3] =	ssyncset.done $0x0  }
0x315: {  	s30 =	rddreg [dreg:$0x11];
	[sflag:s3] =	ssyncadd.s32 $0xFFFF8000  }
0x316: {  	[hbm4b:s30+s2] =	stream.linear.scatter [tilespmem:s28], [sflag:$0x6], $0x8000, $0x38;
	[tilespmem:$0x1A100] =	vst v63  }
0x317: {  	_ =	swait.ge [sflag:s4], $0x8000  }
0x318: {  	[sflag:s4] =	ssyncset.done $0x0  }
0x319: {  	[sflag:s4] =	ssyncadd.s32 $0xFFFF8000  }
0x31a: {  	v6 =	vld.msk [tilespmem:$0x2070], $0xff;
	_ =	sdelay $0x4  }
0x31b: {  	v7 =	vshll.u32 v6, $0x5  }
0x31c: {  	v6 =	vand.u32 $0x7, v6;
	v7 =	vand.u32 $0xFFFFFF00, v7  }
0x31d: {  	v6 =	vor.u32 v6, v7  }
0x31e: {  	v6 =	vperm.xlane v6, v4;
	_ =	sdelay $0x1  }
0x31f: {  	v6 =	vadd.s32 v5, v6;
	_ =	sdelay $0x4  }
0x320: {  	[tilespmem:s28], [sflag:$0x3] =	stream.indirect_vreg.gather [hbm4b:s23+s2], $0x80, v6, vm0, $0xb8;
	[tilespmem:$0x1A100] =	vst v63  }
0x321: {  	s31 =	simm.s32 $0x12900  }
0x322: {  	[tilespmem:s31], [sflag:$0x3] =	stream.indirect_vreg.gather [hbm4b:s8+s2], $0x80, v6, vm0, $0xb8;
	[tilespmem:$0x1A100] =	vst v63  }
0x323: {  	s30 =	simm.s32 $0x13100  }
0x324: {  	[tilespmem:s30], [sflag:$0x3] =	stream.indirect_vreg.gather [hbm4b:s9+s2], $0x80, v6, vm0, $0xb8;
	[tilespmem:$0x1A100] =	vst v63  }
0x325: {  	s31 =	simm.s32 $0x13900  }
0x326: {  	[tilespmem:s31], [sflag:$0x3] =	stream.indirect_vreg.gather [hbm4b:s10+s2], $0x80, v6, vm0, $0xb8;
	[tilespmem:$0x1A100] =	vst v63  }
0x327: {  	s30 =	simm.s32 $0x14100  }
0x328: {  	[tilespmem:s30], [sflag:$0x3] =	stream.indirect_vreg.gather [hbm4b:s11+s2], $0x80, v6, vm0, $0xb8;
	[tilespmem:$0x1A100] =	vst v63  }
0x329: {  	s31 =	simm.s32 $0x14900  }
0x32a: {  	[tilespmem:s31], [sflag:$0x3] =	stream.indirect_vreg.gather [hbm4b:s12+s2], $0x80, v6, vm0, $0xb8;
	[tilespmem:$0x1A100] =	vst v63  }
0x32b: {  	s30 =	simm.s32 $0x15100  }
0x32c: {  	[tilespmem:s30], [sflag:$0x3] =	stream.indirect_vreg.gather [hbm4b:s13+s2], $0x80, v6, vm0, $0xb8;
	[tilespmem:$0x1A100] =	vst v63  }
0x32d: {  	s31 =	simm.s32 $0x15900  }
0x32e: {  	[tilespmem:s31], [sflag:$0x3] =	stream.indirect_vreg.gather [hbm4b:s14+s2], $0x80, v6, vm0, $0xb8;
	[tilespmem:$0x1A100] =	vst v63  }
0x32f: {  	s30 =	simm.s32 $0x16100  }
0x330: {  	[tilespmem:s30], [sflag:$0x3] =	stream.indirect_vreg.gather [hbm4b:s15+s2], $0x80, v6, vm0, $0xb8;
	[tilespmem:$0x1A100] =	vst v63  }
0x331: {  	s31 =	simm.s32 $0x16900  }
0x332: {  	[tilespmem:s31], [sflag:$0x3] =	stream.indirect_vreg.gather [hbm4b:s16+s2], $0x80, v6, vm0, $0xb8;
	[tilespmem:$0x1A100] =	vst v63  }
0x333: {  	s30 =	simm.s32 $0x17100  }
0x334: {  	[tilespmem:s30], [sflag:$0x3] =	stream.indirect_vreg.gather [hbm4b:s17+s2], $0x80, v6, vm0, $0xb8;
	[tilespmem:$0x1A100] =	vst v63  }
0x335: {  	s31 =	simm.s32 $0x17900  }
0x336: {  	[tilespmem:s31], [sflag:$0x3] =	stream.indirect_vreg.gather [hbm4b:s18+s2], $0x80, v6, vm0, $0xb8;
	[tilespmem:$0x1A100] =	vst v63  }
0x337: {  	s30 =	simm.s32 $0x18100  }
0x338: {  	[tilespmem:s30], [sflag:$0x3] =	stream.indirect_vreg.gather [hbm4b:s19+s2], $0x80, v6, vm0, $0xb8;
	[tilespmem:$0x1A100] =	vst v63  }
0x339: {  	s31 =	simm.s32 $0x18900  }
0x33a: {  	[tilespmem:s31], [sflag:$0x3] =	stream.indirect_vreg.gather [hbm4b:s20+s2], $0x80, v6, vm0, $0xb8;
	[tilespmem:$0x1A100] =	vst v63  }
0x33b: {  	s30 =	simm.s32 $0x19100  }
0x33c: {  	[tilespmem:s30], [sflag:$0x3] =	stream.indirect_vreg.gather [hbm4b:s21+s2], $0x80, v6, vm0, $0xb8;
	[tilespmem:$0x1A100] =	vst v63  }
0x33d: {  	s31 =	simm.s32 $0x19900  }
0x33e: {  	[tilespmem:s31], [sflag:$0x3] =	stream.indirect_vreg.gather [hbm4b:s1+s2], $0x80, v6, vm0, $0xb8;
	[tilespmem:$0x1A100] =	vst v63  }
0x33f: {  	_ =	swait.ge [sflag:s26], $0x8000  }
0x340: {  	[sflag:s26] =	ssyncset.done $0x0  }
0x341: {  	s30 =	rddreg [dreg:$0x12];
	[sflag:s26] =	ssyncadd.s32 $0xFFFF8000  }
0x342: {  	[hbm4b:s30+s2] =	stream.linear.scatter [tilespmem:s24], [sflag:$0x4], $0x8000, $0x38;
	[tilespmem:$0x1A100] =	vst v63  }
0x343: {  	_ =	swait.ge [sflag:s7], $0x8000  }
0x344: {  	[sflag:s7] =	ssyncset.done $0x0  }
0x345: {  	[sflag:s7] =	ssyncadd.s32 $0xFFFF8000  }
0x346: {  	v6 =	vld.msk [tilespmem:$0x2078], $0xff;
	_ =	sdelay $0x4  }
0x347: {  	v7 =	vshll.u32 v6, $0x5  }
0x348: {  	v6 =	vand.u32 $0x7, v6;
	v7 =	vand.u32 $0xFFFFFF00, v7  }
0x349: {  	v6 =	vor.u32 v6, v7  }
0x34a: {  	v6 =	vperm.xlane v6, v4;
	_ =	sdelay $0x1  }
0x34b: {  	v6 =	vadd.s32 v5, v6;
	_ =	sdelay $0x4  }
0x34c: {  	[tilespmem:s24], [sflag:$0x1] =	stream.indirect_vreg.gather [hbm4b:s23+s2], $0x80, v6, vm0, $0xb8;
	[tilespmem:$0x1A100] =	vst v63  }
0x34d: {  	s31 =	simm.s32 $0x2900  }
0x34e: {  	[tilespmem:s31], [sflag:$0x1] =	stream.indirect_vreg.gather [hbm4b:s8+s2], $0x80, v6, vm0, $0xb8;
	[tilespmem:$0x1A100] =	vst v63  }
0x34f: {  	s8 =	simm.s32 $0x3100  }
0x350: {  	[tilespmem:s8], [sflag:$0x1] =	stream.indirect_vreg.gather [hbm4b:s9+s2], $0x80, v6, vm0, $0xb8;
	[tilespmem:$0x1A100] =	vst v63  }
0x351: {  	s9 =	simm.s32 $0x3900  }
0x352: {  	[tilespmem:s9], [sflag:$0x1] =	stream.indirect_vreg.gather [hbm4b:s10+s2], $0x80, v6, vm0, $0xb8;
	[tilespmem:$0x1A100] =	vst v63  }
0x353: {  	s10 =	simm.s32 $0x4100  }
0x354: {  	[tilespmem:s10], [sflag:$0x1] =	stream.indirect_vreg.gather [hbm4b:s11+s2], $0x80, v6, vm0, $0xb8;
	[tilespmem:$0x1A100] =	vst v63  }
0x355: {  	s11 =	simm.s32 $0x4900  }
0x356: {  	[tilespmem:s11], [sflag:$0x1] =	stream.indirect_vreg.gather [hbm4b:s12+s2], $0x80, v6, vm0, $0xb8;
	[tilespmem:$0x1A100] =	vst v63  }
0x357: {  	s12 =	simm.s32 $0x5100  }
0x358: {  	[tilespmem:s12], [sflag:$0x1] =	stream.indirect_vreg.gather [hbm4b:s13+s2], $0x80, v6, vm0, $0xb8;
	[tilespmem:$0x1A100] =	vst v63  }
0x359: {  	s13 =	simm.s32 $0x5900  }
0x35a: {  	[tilespmem:s13], [sflag:$0x1] =	stream.indirect_vreg.gather [hbm4b:s14+s2], $0x80, v6, vm0, $0xb8;
	[tilespmem:$0x1A100] =	vst v63  }
0x35b: {  	s14 =	simm.s32 $0x6100  }
0x35c: {  	[tilespmem:s14], [sflag:$0x1] =	stream.indirect_vreg.gather [hbm4b:s15+s2], $0x80, v6, vm0, $0xb8;
	[tilespmem:$0x1A100] =	vst v63  }
0x35d: {  	s15 =	simm.s32 $0x6900  }
0x35e: {  	[tilespmem:s15], [sflag:$0x1] =	stream.indirect_vreg.gather [hbm4b:s16+s2], $0x80, v6, vm0, $0xb8;
	[tilespmem:$0x1A100] =	vst v63  }
0x35f: {  	s16 =	simm.s32 $0x7100  }
0x360: {  	[tilespmem:s16], [sflag:$0x1] =	stream.indirect_vreg.gather [hbm4b:s17+s2], $0x80, v6, vm0, $0xb8;
	[tilespmem:$0x1A100] =	vst v63  }
0x361: {  	s17 =	simm.s32 $0x7900  }
0x362: {  	[tilespmem:s17], [sflag:$0x1] =	stream.indirect_vreg.gather [hbm4b:s18+s2], $0x80, v6, vm0, $0xb8;
	[tilespmem:$0x1A100] =	vst v63  }
0x363: {  	s18 =	simm.s32 $0x8100  }
0x364: {  	[tilespmem:s18], [sflag:$0x1] =	stream.indirect_vreg.gather [hbm4b:s19+s2], $0x80, v6, vm0, $0xb8;
	[tilespmem:$0x1A100] =	vst v63  }
0x365: {  	s19 =	simm.s32 $0x8900  }
0x366: {  	[tilespmem:s19], [sflag:$0x1] =	stream.indirect_vreg.gather [hbm4b:s20+s2], $0x80, v6, vm0, $0xb8;
	[tilespmem:$0x1A100] =	vst v63  }
0x367: {  	s20 =	simm.s32 $0x9100  }
0x368: {  	[tilespmem:s20], [sflag:$0x1] =	stream.indirect_vreg.gather [hbm4b:s21+s2], $0x80, v6, vm0, $0xb8;
	[tilespmem:$0x1A100] =	vst v63  }
0x369: {  	s21 =	simm.s32 $0x9900  }
0x36a: {  	[tilespmem:s21], [sflag:$0x1] =	stream.indirect_vreg.gather [hbm4b:s1+s2], $0x80, v6, vm0, $0xb8;
	[tilespmem:$0x1A100] =	vst v63  }
0x36b: {  	_ =	swait.ge [sflag:s25], $0x8000  }
0x36c: {  	[sflag:s25] =	ssyncset.done $0x0  }
0x36d: {  	s23 =	rddreg [dreg:$0x13];
	[sflag:s25] =	ssyncadd.s32 $0xFFFF8000  }
0x36e: {  	[hbm4b:s23+s2] =	stream.linear.scatter [tilespmem:s29], [sflag:$0x5], $0x8000, $0x38;
	[tilespmem:$0x1A100] =	vst v63  }
0x36f: {  	_ =	swait.ge [sflag:s3], $0x8000  }
0x370: {  	[sflag:s3] =	ssyncset.done $0x0  }
0x371: {  	s25 =	rddreg [dreg:$0x14];
	[sflag:s3] =	ssyncadd.s32 $0xFFFF8000  }
0x372: {  	[hbm4b:s25+s2] =	stream.linear.scatter [tilespmem:s28], [sflag:$0x6], $0x8000, $0x38;
	[tilespmem:$0x1A100] =	vst v63  }
0x373: {  	_ =	swait.ge [sflag:s26], $0x8000  }
0x374: {  	[sflag:s26] =	ssyncset.done $0x0  }
0x375: {  	s29 =	rddreg [dreg:$0x15];
	[sflag:s26] =	ssyncadd.s32 $0xFFFF8000  }
0x376: {  	[hbm4b:s29+s2] =	stream.linear.scatter [tilespmem:s24], [sflag:$0x4], $0x8000, $0x38;
	[tilespmem:$0x1A100] =	vst v63  }
0x377: {  	_ =	swait.ge [sflag:s22], $0x8000  }
0x378: {  	[sflag:s22] =	ssyncset.done $0x0  }
0x379: {  	[sflag:s22] =	ssyncadd.s32 $0xFFFF8000  }
0x37a: {  	_ =	swait.ge [sflag:s4], $0x8000  }
0x37b: {  	[sflag:s4] =	ssyncset.done $0x0  }
0x37c: {  	[sflag:s4] =	ssyncadd.s32 $0xFFFF8000  }
0x37d: {  	_ =	swait.ge [sflag:s7], $0x8000  }
0x37e: {  	s30 =	sld [smem:$0x7F8];
	_ =	sdelay $0x2  }
0x37f: {  	s31 =	rddreg [dreg:$0x8];
	s1 =	sadd.s32 $0x1, s30  }
0x380: {  	p0 =	sne.s32 s1, s31  }
.Ltmp2:
0x381: {  	_ = 	snop;
	(pc) =	sbr.rel @p0 .LBB2_1-.Ltmp2, $3  }
0x382: {  	_ =	sdelay $0x1  }
0x383: {  	[sflag:s7] =	ssyncset.done $0x0  }
0x384: {  	[sflag:s7] =	ssyncadd.s32 $0xFFFF8000  }
0x385: {  	_ =	sfence.sel $0x180000  }
0x386: {  	[bflag:$0x0] =	sbarrier.arrive $0xFFFF  }
0x387: {  	_ =	strace $0x90000047  }
0x388: {  	s0 =	stileid.u32;
	[bflag:$0x2] =	sbarrier.arrive $0xFFFF  }
0x389: {  	p0 =	sne.s32 s0, $0x0;
	s0 =	rddreg [dreg:$0x3]  }
0x38a: {  	s0 =	sadd.s32 @!p0 $0x100000, s0  }
0x38b: {  	[sflag:s0] =	ssyncadd.tile.s32 @!p0 $0x1;
	_ =	shalt  }
.Lfunc_end2:
_tile_overlayer_lowered:
.L_overlay_start_2:
0x38c: {  	(tag) =	ssettag $0x2  }
0x38d: {  	s0 =	rddreg [dreg:$0x0];
	s2 =	stileid.u32  }
0x38e: {  	s1 =	rddreg [dreg:$0x1];
	p0 =	sne.s32 s2, $0x0  }
0x38f: {  	s3 =	rddreg [dreg:$0x2];
	[bflag:$0x3] =	sbarrier.arrive $0xFFFF;
	s2 =	simm.s32 @!p0 $0x1C07  }
0x390: {  	[timem:s3], [sflag:s2] =	dma.local @!p0 [hbm:s0], s1  }
0x391: {  	s0 =	simm.s32 @!p0 $0x7  }
0x392: {  	_ =	swait.ge @!p0 [sflag:s0], s1  }
0x393: {  	s1 =	ssub.s32 @!p0 $0x0, s1;
	[sflag:s0] =	ssyncset.done @!p0 $0x0  }
0x394: {  	[sflag:s0] =	ssyncadd.s32 @!p0 s1  }
0x395: {  	[bflag:$0x3] =	sbarrier.arrive $0xFFFF  }
0x396: {  	_ =	shalt  }

</sc_bundles>
